<compile_context>
chip_gen: v7x
topology: tpu7x:2x2x1
jax: 0.10.2.dev20260603
libtpu: 0.0.44.dev20260713+nightly
codegen_flags: <defaults>
</compile_context>

<pallas_src>
import functools

import jax
import jax.numpy as jnp
from jax import lax
from jax.experimental import pallas as pl
from jax.experimental.pallas import tpu as pltpu
from jax.experimental.pallas import tpu_sc as plsc

BATCH = 4096
HIST = 200
D = 32
TOTAL = BATCH * HIST

NC = 2
NS = 16
NW = NC * NS
ROWS_PER_W = TOTAL // NW
STREAM = 128
K = 10
CHUNK = STREAM * K
NCHUNK = ROWS_PER_W // CHUNK
NSTREAM = ROWS_PER_W // STREAM


@jax.jit
def _gather(tag_ids_r, table):
    mesh = plsc.VectorSubcoreMesh(core_axis_name="c", subcore_axis_name="s")

    @functools.partial(
        pl.kernel,
        mesh=mesh,
        out_type=jax.ShapeDtypeStruct((NW, NCHUNK, K, STREAM, D), jnp.float32),
        scratch_types=[
            pltpu.VMEM((NSTREAM, STREAM), jnp.int32),
            pltpu.VMEM((2, K, STREAM, D), jnp.float32),
            pltpu.SemaphoreType.DMA,
            pltpu.SemaphoreType.DMA,
            pltpu.SemaphoreType.DMA,
            pltpu.SemaphoreType.DMA,
        ],
        compiler_params=pltpu.CompilerParams(use_tc_tiling_on_sc=False),
    )
    def k(idx_hbm, table_hbm, out_hbm, idx_v, rows_v, gsem0, gsem1, wsem0, wsem1):
        wid = lax.axis_index("s") * NC + lax.axis_index("c")
        pltpu.sync_copy(idx_hbm.at[wid], idx_v)

        bufs = (rows_v.at[0], rows_v.at[1])
        gsems = (gsem0, gsem1)
        wsems = (wsem0, wsem1)

        def fire_gathers(c, i):
            for b in range(K):
                pltpu.async_copy(
                    table_hbm.at[idx_v.at[c * K + b]], bufs[i].at[b], gsems[i]
                )

        def drain_gathers(i):
            for b in range(K):
                pltpu.make_async_copy(
                    table_hbm.at[idx_v.at[b]], bufs[i].at[b], gsems[i]
                ).wait()

        def fire_write(c, i):
            pltpu.async_copy(bufs[i], out_hbm.at[wid, c], wsems[i])

        def drain_write(i):
            pltpu.make_async_copy(bufs[i], out_hbm.at[wid, 0], wsems[i]).wait()

        fire_gathers(0, 0)

        def body(c, carry):
            def step(i):
                nxt = 1 - i

                @pl.when(c >= 1)
                def _():
                    drain_write(nxt)

                @pl.when(c + 1 < NCHUNK)
                def _():
                    fire_gathers(c + 1, nxt)

                drain_gathers(i)
                fire_write(c, i)

            is_even = lax.rem(c, 2) == 0

            @pl.when(is_even)
            def _():
                step(0)

            @pl.when(jnp.logical_not(is_even))
            def _():
                step(1)

            return carry

        lax.fori_loop(0, NCHUNK, body, 0)
        drain_write((NCHUNK - 1) % 2)

    return k(tag_ids_r, table)


def kernel(tag_ids, embedding_table):
    idx = tag_ids.reshape(NW, NSTREAM, STREAM).astype(jnp.int32)
    out = _gather(idx, embedding_table)
    return out.reshape(BATCH, HIST, D)

# --- scband reference (transcript-rebuilt; emitter-appended) ---
"""Pipeline reference for scband-word2-vec-embedding-34402688041650 (READ-ONLY COPY).

The authoritative reference and input builder live on the scoring server;
editing this copy changes nothing except your own understanding.
"""

import jax, jax.numpy as jnp
import numpy as np

VOCAB_SIZE = 1000000
EMBED_DIM = 32
BATCH = 4096
HIST_LEN = 200


def setup_inputs(seed: int = 0) -> dict:
    key = jax.random.key(seed)
    k_idx, k_tab = jax.random.split(key)
    tag_ids = jax.random.randint(k_idx, (BATCH, HIST_LEN), 0, VOCAB_SIZE, dtype=jnp.int64 if jax.config.jax_enable_x64 else jnp.int32)
    # Learned embedding table (stands in for word2vec-initialized matrix; trainable since freeze=False)
    embedding_table = jax.random.normal(k_tab, (VOCAB_SIZE, EMBED_DIM), dtype=jnp.float32)
    return {"tag_ids": tag_ids, "embedding_table": embedding_table}


def reference(tag_ids, embedding_table):
    # nn.Embedding forward: pure row gather from the table.
    return jnp.take(embedding_table, tag_ids, axis=0)

if __name__ == "__main__":
    import jax
    _d = setup_inputs()
    print(jax.jit(kernel)(*tuple(_d.values())))

</pallas_src>

<mosaic_0001>
#map = affine_map<(d0, d1) -> (0, 0, 0)>
#map1 = affine_map<(d0, d1) -> (0, 0)>
#map2 = affine_map<(d0, d1) -> (0, 0, 0, 0, 0)>
module attributes {stable_mosaic.version = 14 : i64} {
  func.func @k(%arg0: i32, %arg1: i32, %arg2: memref<32x200x128xi32, #tpu.memory_space<hbm>>, %arg3: memref<1000000x32xf32, #tpu.memory_space<hbm>>, %arg4: memref<32x20x10x128x32xf32, #tpu.memory_space<hbm>>, %arg5: memref<200x128xi32, #tpu.memory_space<vmem>>, %arg6: memref<2x10x128x32xf32, #tpu.memory_space<vmem>>, %arg7: memref<!tpu.dma_semaphore, #tpu.memory_space<semaphore_mem>>, %arg8: memref<!tpu.dma_semaphore, #tpu.memory_space<semaphore_mem>>, %arg9: memref<!tpu.dma_semaphore, #tpu.memory_space<semaphore_mem>>, %arg10: memref<!tpu.dma_semaphore, #tpu.memory_space<semaphore_mem>>) attributes {dimension_semantics = [#tpu.dimension_semantics<core_parallel>, #tpu.dimension_semantics<subcore_parallel>], iteration_bounds = array<i64: 2, 16>, scalar_prefetch = 0 : i64, scratch_operands = 6 : i64, tpu.core_type = #tpu.core_type<sc_vector_subcore>, window_params = [{transform_indices = #map}, {transform_indices = #map1}, {transform_indices = #map2}]} {
    %mul3A = arith.constant 2 : i32
    %mul3A_0 = arith.muli %arg1, %mul3A : i32
    %add3A = arith.addi %mul3A_0, %arg0 : i32
    "tpu.region"() ({
      %run_scoped3A = tpu.sem_alloc : memref<!tpu.dma_semaphore, #tpu.memory_space<semaphore_mem>>
      %dma_start3A_208 = arith.constant 0 : i32
      %dma_start3A_209 = arith.constant 0 : i32
      %dma_start3A_210 = tpu.memref_slice %arg2[%add3A, %dma_start3A_208, %dma_start3A_209] : memref<32x200x128xi32, #tpu.memory_space<hbm>> -> memref<1x200x128xi32, #tpu.memory_space<hbm>>
      %dma_start3A_211 = tpu.memref_squeeze %dma_start3A_210 : memref<1x200x128xi32, #tpu.memory_space<hbm>> -> memref<200x128xi32, #tpu.memory_space<hbm>>
      %dma_start3A_212 = arith.constant 0 : i32
      %dma_start3A_213 = arith.constant 0 : i32
      %dma_start3A_214 = tpu.memref_slice %arg2[%add3A, %dma_start3A_212, %dma_start3A_213] : memref<32x200x128xi32, #tpu.memory_space<hbm>> -> memref<1x200x128xi32, #tpu.memory_space<hbm>>
      %dma_start3A_215 = tpu.memref_squeeze %dma_start3A_214 : memref<1x200x128xi32, #tpu.memory_space<hbm>> -> memref<200x128xi32, #tpu.memory_space<hbm>>
      tpu.enqueue_dma source(%dma_start3A_215 : memref<200x128xi32, #tpu.memory_space<hbm>>) target(%arg5 : memref<200x128xi32, #tpu.memory_space<vmem>>) target_semaphore(%run_scoped3A : memref<!tpu.dma_semaphore, #tpu.memory_space<semaphore_mem>>)
      %dma_wait3A_216 = arith.constant 0 : i32
      %dma_wait3A_217 = arith.constant 0 : i32
      %dma_wait3A_218 = tpu.memref_slice %arg2[%add3A, %dma_wait3A_216, %dma_wait3A_217] : memref<32x200x128xi32, #tpu.memory_space<hbm>> -> memref<1x200x128xi32, #tpu.memory_space<hbm>>
      %dma_wait3A_219 = tpu.memref_squeeze %dma_wait3A_218 : memref<1x200x128xi32, #tpu.memory_space<hbm>> -> memref<200x128xi32, #tpu.memory_space<hbm>>
      %dma_wait3A_220 = arith.constant 0 : i32
      %dma_wait3A_221 = arith.constant 0 : i32
      %dma_wait3A_222 = tpu.memref_slice %arg2[%add3A, %dma_wait3A_220, %dma_wait3A_221] : memref<32x200x128xi32, #tpu.memory_space<hbm>> -> memref<1x200x128xi32, #tpu.memory_space<hbm>>
      %dma_wait3A_223 = tpu.memref_squeeze %dma_wait3A_222 : memref<1x200x128xi32, #tpu.memory_space<hbm>> -> memref<200x128xi32, #tpu.memory_space<hbm>>
      tpu.wait_dma2 semaphore(%run_scoped3A : memref<!tpu.dma_semaphore, #tpu.memory_space<semaphore_mem>>) src(%dma_wait3A_223 : memref<200x128xi32, #tpu.memory_space<hbm>>) dst(%arg5 : memref<200x128xi32, #tpu.memory_space<vmem>>)
      tpu.yield
    }) : () -> ()
    %dma_start3A = arith.constant 0 : i32
    %dma_start3A_1 = arith.constant 0 : i32
    %dma_start3A_2 = arith.constant 0 : i32
    %dma_start3A_3 = arith.constant 0 : i32
    %dma_start3A_4 = arith.constant 0 : i32
    %dma_start3A_5 = arith.constant 0 : i32
    %dma_start3A_6 = tpu.memref_slice %arg6[%dma_start3A_1, %dma_start3A_3, %dma_start3A_4, %dma_start3A_5] : memref<2x10x128x32xf32, #tpu.memory_space<vmem>> -> memref<1x10x128x32xf32, #tpu.memory_space<vmem>>
    %dma_start3A_7 = tpu.memref_squeeze %dma_start3A_6 : memref<1x10x128x32xf32, #tpu.memory_space<vmem>> -> memref<10x128x32xf32, #tpu.memory_space<vmem>>
    %dma_start3A_8 = arith.constant 0 : i32
    %dma_start3A_9 = arith.constant 0 : i32
    %dma_start3A_10 = tpu.memref_slice %dma_start3A_7[%dma_start3A_2, %dma_start3A_8, %dma_start3A_9] : memref<10x128x32xf32, #tpu.memory_space<vmem>> -> memref<1x128x32xf32, #tpu.memory_space<vmem>>
    %dma_start3A_11 = tpu.memref_squeeze %dma_start3A_10 : memref<1x128x32xf32, #tpu.memory_space<vmem>> -> memref<128x32xf32, #tpu.memory_space<vmem>>
    %dma_start3A_12 = arith.constant 0 : i32
    %dma_start3A_13 = tpu.memref_slice %arg5[%dma_start3A, %dma_start3A_12] : memref<200x128xi32, #tpu.memory_space<vmem>> -> memref<1x128xi32, #tpu.memory_space<vmem>>
    %dma_start3A_14 = tpu.memref_squeeze %dma_start3A_13 : memref<1x128xi32, #tpu.memory_space<vmem>> -> memref<128xi32, #tpu.memory_space<vmem>>
    %dma_start3A_15 = arith.constant 0 : i32
    %dma_start3A_16 = arith.constant 0 : i32
    %dma_start3A_17 = tpu.memref_slice %arg3[%dma_start3A_15, %dma_start3A_16] : memref<1000000x32xf32, #tpu.memory_space<hbm>> -> memref<1000000x32xf32, #tpu.memory_space<hbm>>
    tpu.enqueue_indirect_dma source(%dma_start3A_17 : memref<1000000x32xf32, #tpu.memory_space<hbm>>) target(%dma_start3A_11 : memref<128x32xf32, #tpu.memory_space<vmem>>) offsets(%dma_start3A_14 : memref<128xi32, #tpu.memory_space<vmem>>) semaphore(%arg7 : memref<!tpu.dma_semaphore, #tpu.memory_space<semaphore_mem>>)
    %dma_start3A_18 = arith.constant 1 : i32
    %dma_start3A_19 = arith.constant 0 : i32
    %dma_start3A_20 = arith.constant 1 : i32
    %dma_start3A_21 = arith.constant 0 : i32
    %dma_start3A_22 = arith.constant 0 : i32
    %dma_start3A_23 = arith.constant 0 : i32
    %dma_start3A_24 = tpu.memref_slice %arg6[%dma_start3A_19, %dma_start3A_21, %dma_start3A_22, %dma_start3A_23] : memref<2x10x128x32xf32, #tpu.memory_space<vmem>> -> memref<1x10x128x32xf32, #tpu.memory_space<vmem>>
    %dma_start3A_25 = tpu.memref_squeeze %dma_start3A_24 : memref<1x10x128x32xf32, #tpu.memory_space<vmem>> -> memref<10x128x32xf32, #tpu.memory_space<vmem>>
    %dma_start3A_26 = arith.constant 0 : i32
    %dma_start3A_27 = arith.constant 0 : i32
    %dma_start3A_28 = tpu.memref_slice %dma_start3A_25[%dma_start3A_20, %dma_start3A_26, %dma_start3A_27] : memref<10x128x32xf32, #tpu.memory_space<vmem>> -> memref<1x128x32xf32, #tpu.memory_space<vmem>>
    %dma_start3A_29 = tpu.memref_squeeze %dma_start3A_28 : memref<1x128x32xf32, #tpu.memory_space<vmem>> -> memref<128x32xf32, #tpu.memory_space<vmem>>
    %dma_start3A_30 = arith.constant 0 : i32
    %dma_start3A_31 = tpu.memref_slice %arg5[%dma_start3A_18, %dma_start3A_30] : memref<200x128xi32, #tpu.memory_space<vmem>> -> memref<1x128xi32, #tpu.memory_space<vmem>>
    %dma_start3A_32 = tpu.memref_squeeze %dma_start3A_31 : memref<1x128xi32, #tpu.memory_space<vmem>> -> memref<128xi32, #tpu.memory_space<vmem>>
    %dma_start3A_33 = arith.constant 0 : i32
    %dma_start3A_34 = arith.constant 0 : i32
    %dma_start3A_35 = tpu.memref_slice %arg3[%dma_start3A_33, %dma_start3A_34] : memref<1000000x32xf32, #tpu.memory_space<hbm>> -> memref<1000000x32xf32, #tpu.memory_space<hbm>>
    tpu.enqueue_indirect_dma source(%dma_start3A_35 : memref<1000000x32xf32, #tpu.memory_space<hbm>>) target(%dma_start3A_29 : memref<128x32xf32, #tpu.memory_space<vmem>>) offsets(%dma_start3A_32 : memref<128xi32, #tpu.memory_space<vmem>>) semaphore(%arg7 : memref<!tpu.dma_semaphore, #tpu.memory_space<semaphore_mem>>)
    %dma_start3A_36 = arith.constant 2 : i32
    %dma_start3A_37 = arith.constant 0 : i32
    %dma_start3A_38 = arith.constant 2 : i32
    %dma_start3A_39 = arith.constant 0 : i32
    %dma_start3A_40 = arith.constant 0 : i32
    %dma_start3A_41 = arith.constant 0 : i32
    %dma_start3A_42 = tpu.memref_slice %arg6[%dma_start3A_37, %dma_start3A_39, %dma_start3A_40, %dma_start3A_41] : memref<2x10x128x32xf32, #tpu.memory_space<vmem>> -> memref<1x10x128x32xf32, #tpu.memory_space<vmem>>
    %dma_start3A_43 = tpu.memref_squeeze %dma_start3A_42 : memref<1x10x128x32xf32, #tpu.memory_space<vmem>> -> memref<10x128x32xf32, #tpu.memory_space<vmem>>
    %dma_start3A_44 = arith.constant 0 : i32
    %dma_start3A_45 = arith.constant 0 : i32
    %dma_start3A_46 = tpu.memref_slice %dma_start3A_43[%dma_start3A_38, %dma_start3A_44, %dma_start3A_45] : memref<10x128x32xf32, #tpu.memory_space<vmem>> -> memref<1x128x32xf32, #tpu.memory_space<vmem>>
    %dma_start3A_47 = tpu.memref_squeeze %dma_start3A_46 : memref<1x128x32xf32, #tpu.memory_space<vmem>> -> memref<128x32xf32, #tpu.memory_space<vmem>>
    %dma_start3A_48 = arith.constant 0 : i32
    %dma_start3A_49 = tpu.memref_slice %arg5[%dma_start3A_36, %dma_start3A_48] : memref<200x128xi32, #tpu.memory_space<vmem>> -> memref<1x128xi32, #tpu.memory_space<vmem>>
    %dma_start3A_50 = tpu.memref_squeeze %dma_start3A_49 : memref<1x128xi32, #tpu.memory_space<vmem>> -> memref<128xi32, #tpu.memory_space<vmem>>
    %dma_start3A_51 = arith.constant 0 : i32
    %dma_start3A_52 = arith.constant 0 : i32
    %dma_start3A_53 = tpu.memref_slice %arg3[%dma_start3A_51, %dma_start3A_52] : memref<1000000x32xf32, #tpu.memory_space<hbm>> -> memref<1000000x32xf32, #tpu.memory_space<hbm>>
    tpu.enqueue_indirect_dma source(%dma_start3A_53 : memref<1000000x32xf32, #tpu.memory_space<hbm>>) target(%dma_start3A_47 : memref<128x32xf32, #tpu.memory_space<vmem>>) offsets(%dma_start3A_50 : memref<128xi32, #tpu.memory_space<vmem>>) semaphore(%arg7 : memref<!tpu.dma_semaphore, #tpu.memory_space<semaphore_mem>>)
    %dma_start3A_54 = arith.constant 3 : i32
    %dma_start3A_55 = arith.constant 0 : i32
    %dma_start3A_56 = arith.constant 3 : i32
    %dma_start3A_57 = arith.constant 0 : i32
    %dma_start3A_58 = arith.constant 0 : i32
    %dma_start3A_59 = arith.constant 0 : i32
    %dma_start3A_60 = tpu.memref_slice %arg6[%dma_start3A_55, %dma_start3A_57, %dma_start3A_58, %dma_start3A_59] : memref<2x10x128x32xf32, #tpu.memory_space<vmem>> -> memref<1x10x128x32xf32, #tpu.memory_space<vmem>>
    %dma_start3A_61 = tpu.memref_squeeze %dma_start3A_60 : memref<1x10x128x32xf32, #tpu.memory_space<vmem>> -> memref<10x128x32xf32, #tpu.memory_space<vmem>>
    %dma_start3A_62 = arith.constant 0 : i32
    %dma_start3A_63 = arith.constant 0 : i32
    %dma_start3A_64 = tpu.memref_slice %dma_start3A_61[%dma_start3A_56, %dma_start3A_62, %dma_start3A_63] : memref<10x128x32xf32, #tpu.memory_space<vmem>> -> memref<1x128x32xf32, #tpu.memory_space<vmem>>
    %dma_start3A_65 = tpu.memref_squeeze %dma_start3A_64 : memref<1x128x32xf32, #tpu.memory_space<vmem>> -> memref<128x32xf32, #tpu.memory_space<vmem>>
    %dma_start3A_66 = arith.constant 0 : i32
    %dma_start3A_67 = tpu.memref_slice %arg5[%dma_start3A_54, %dma_start3A_66] : memref<200x128xi32, #tpu.memory_space<vmem>> -> memref<1x128xi32, #tpu.memory_space<vmem>>
    %dma_start3A_68 = tpu.memref_squeeze %dma_start3A_67 : memref<1x128xi32, #tpu.memory_space<vmem>> -> memref<128xi32, #tpu.memory_space<vmem>>
    %dma_start3A_69 = arith.constant 0 : i32
    %dma_start3A_70 = arith.constant 0 : i32
    %dma_start3A_71 = tpu.memref_slice %arg3[%dma_start3A_69, %dma_start3A_70] : memref<1000000x32xf32, #tpu.memory_space<hbm>> -> memref<1000000x32xf32, #tpu.memory_space<hbm>>
    tpu.enqueue_indirect_dma source(%dma_start3A_71 : memref<1000000x32xf32, #tpu.memory_space<hbm>>) target(%dma_start3A_65 : memref<128x32xf32, #tpu.memory_space<vmem>>) offsets(%dma_start3A_68 : memref<128xi32, #tpu.memory_space<vmem>>) semaphore(%arg7 : memref<!tpu.dma_semaphore, #tpu.memory_space<semaphore_mem>>)
    %dma_start3A_72 = arith.constant 4 : i32
    %dma_start3A_73 = arith.constant 0 : i32
    %dma_start3A_74 = arith.constant 4 : i32
    %dma_start3A_75 = arith.constant 0 : i32
    %dma_start3A_76 = arith.constant 0 : i32
    %dma_start3A_77 = arith.constant 0 : i32
    %dma_start3A_78 = tpu.memref_slice %arg6[%dma_start3A_73, %dma_start3A_75, %dma_start3A_76, %dma_start3A_77] : memref<2x10x128x32xf32, #tpu.memory_space<vmem>> -> memref<1x10x128x32xf32, #tpu.memory_space<vmem>>
    %dma_start3A_79 = tpu.memref_squeeze %dma_start3A_78 : memref<1x10x128x32xf32, #tpu.memory_space<vmem>> -> memref<10x128x32xf32, #tpu.memory_space<vmem>>
    %dma_start3A_80 = arith.constant 0 : i32
    %dma_start3A_81 = arith.constant 0 : i32
    %dma_start3A_82 = tpu.memref_slice %dma_start3A_79[%dma_start3A_74, %dma_start3A_80, %dma_start3A_81] : memref<10x128x32xf32, #tpu.memory_space<vmem>> -> memref<1x128x32xf32, #tpu.memory_space<vmem>>
    %dma_start3A_83 = tpu.memref_squeeze %dma_start3A_82 : memref<1x128x32xf32, #tpu.memory_space<vmem>> -> memref<128x32xf32, #tpu.memory_space<vmem>>
    %dma_start3A_84 = arith.constant 0 : i32
    %dma_start3A_85 = tpu.memref_slice %arg5[%dma_start3A_72, %dma_start3A_84] : memref<200x128xi32, #tpu.memory_space<vmem>> -> memref<1x128xi32, #tpu.memory_space<vmem>>
    %dma_start3A_86 = tpu.memref_squeeze %dma_start3A_85 : memref<1x128xi32, #tpu.memory_space<vmem>> -> memref<128xi32, #tpu.memory_space<vmem>>
    %dma_start3A_87 = arith.constant 0 : i32
    %dma_start3A_88 = arith.constant 0 : i32
    %dma_start3A_89 = tpu.memref_slice %arg3[%dma_start3A_87, %dma_start3A_88] : memref<1000000x32xf32, #tpu.memory_space<hbm>> -> memref<1000000x32xf32, #tpu.memory_space<hbm>>
    tpu.enqueue_indirect_dma source(%dma_start3A_89 : memref<1000000x32xf32, #tpu.memory_space<hbm>>) target(%dma_start3A_83 : memref<128x32xf32, #tpu.memory_space<vmem>>) offsets(%dma_start3A_86 : memref<128xi32, #tpu.memory_space<vmem>>) semaphore(%arg7 : memref<!tpu.dma_semaphore, #tpu.memory_space<semaphore_mem>>)
    %dma_start3A_90 = arith.constant 5 : i32
    %dma_start3A_91 = arith.constant 0 : i32
    %dma_start3A_92 = arith.constant 5 : i32
    %dma_start3A_93 = arith.constant 0 : i32
    %dma_start3A_94 = arith.constant 0 : i32
    %dma_start3A_95 = arith.constant 0 : i32
    %dma_start3A_96 = tpu.memref_slice %arg6[%dma_start3A_91, %dma_start3A_93, %dma_start3A_94, %dma_start3A_95] : memref<2x10x128x32xf32, #tpu.memory_space<vmem>> -> memref<1x10x128x32xf32, #tpu.memory_space<vmem>>
    %dma_start3A_97 = tpu.memref_squeeze %dma_start3A_96 : memref<1x10x128x32xf32, #tpu.memory_space<vmem>> -> memref<10x128x32xf32, #tpu.memory_space<vmem>>
    %dma_start3A_98 = arith.constant 0 : i32
    %dma_start3A_99 = arith.constant 0 : i32
    %dma_start3A_100 = tpu.memref_slice %dma_start3A_97[%dma_start3A_92, %dma_start3A_98, %dma_start3A_99] : memref<10x128x32xf32, #tpu.memory_space<vmem>> -> memref<1x128x32xf32, #tpu.memory_space<vmem>>
    %dma_start3A_101 = tpu.memref_squeeze %dma_start3A_100 : memref<1x128x32xf32, #tpu.memory_space<vmem>> -> memref<128x32xf32, #tpu.memory_space<vmem>>
    %dma_start3A_102 = arith.constant 0 : i32
    %dma_start3A_103 = tpu.memref_slice %arg5[%dma_start3A_90, %dma_start3A_102] : memref<200x128xi32, #tpu.memory_space<vmem>> -> memref<1x128xi32, #tpu.memory_space<vmem>>
    %dma_start3A_104 = tpu.memref_squeeze %dma_start3A_103 : memref<1x128xi32, #tpu.memory_space<vmem>> -> memref<128xi32, #tpu.memory_space<vmem>>
    %dma_start3A_105 = arith.constant 0 : i32
    %dma_start3A_106 = arith.constant 0 : i32
    %dma_start3A_107 = tpu.memref_slice %arg3[%dma_start3A_105, %dma_start3A_106] : memref<1000000x32xf32, #tpu.memory_space<hbm>> -> memref<1000000x32xf32, #tpu.memory_space<hbm>>
    tpu.enqueue_indirect_dma source(%dma_start3A_107 : memref<1000000x32xf32, #tpu.memory_space<hbm>>) target(%dma_start3A_101 : memref<128x32xf32, #tpu.memory_space<vmem>>) offsets(%dma_start3A_104 : memref<128xi32, #tpu.memory_space<vmem>>) semaphore(%arg7 : memref<!tpu.dma_semaphore, #tpu.memory_space<semaphore_mem>>)
    %dma_start3A_108 = arith.constant 6 : i32
    %dma_start3A_109 = arith.constant 0 : i32
    %dma_start3A_110 = arith.constant 6 : i32
    %dma_start3A_111 = arith.constant 0 : i32
    %dma_start3A_112 = arith.constant 0 : i32
    %dma_start3A_113 = arith.constant 0 : i32
    %dma_start3A_114 = tpu.memref_slice %arg6[%dma_start3A_109, %dma_start3A_111, %dma_start3A_112, %dma_start3A_113] : memref<2x10x128x32xf32, #tpu.memory_space<vmem>> -> memref<1x10x128x32xf32, #tpu.memory_space<vmem>>
    %dma_start3A_115 = tpu.memref_squeeze %dma_start3A_114 : memref<1x10x128x32xf32, #tpu.memory_space<vmem>> -> memref<10x128x32xf32, #tpu.memory_space<vmem>>
    %dma_start3A_116 = arith.constant 0 : i32
    %dma_start3A_117 = arith.constant 0 : i32
    %dma_start3A_118 = tpu.memref_slice %dma_start3A_115[%dma_start3A_110, %dma_start3A_116, %dma_start3A_117] : memref<10x128x32xf32, #tpu.memory_space<vmem>> -> memref<1x128x32xf32, #tpu.memory_space<vmem>>
    %dma_start3A_119 = tpu.memref_squeeze %dma_start3A_118 : memref<1x128x32xf32, #tpu.memory_space<vmem>> -> memref<128x32xf32, #tpu.memory_space<vmem>>
    %dma_start3A_120 = arith.constant 0 : i32
    %dma_start3A_121 = tpu.memref_slice %arg5[%dma_start3A_108, %dma_start3A_120] : memref<200x128xi32, #tpu.memory_space<vmem>> -> memref<1x128xi32, #tpu.memory_space<vmem>>
    %dma_start3A_122 = tpu.memref_squeeze %dma_start3A_121 : memref<1x128xi32, #tpu.memory_space<vmem>> -> memref<128xi32, #tpu.memory_space<vmem>>
    %dma_start3A_123 = arith.constant 0 : i32
    %dma_start3A_124 = arith.constant 0 : i32
    %dma_start3A_125 = tpu.memref_slice %arg3[%dma_start3A_123, %dma_start3A_124] : memref<1000000x32xf32, #tpu.memory_space<hbm>> -> memref<1000000x32xf32, #tpu.memory_space<hbm>>
    tpu.enqueue_indirect_dma source(%dma_start3A_125 : memref<1000000x32xf32, #tpu.memory_space<hbm>>) target(%dma_start3A_119 : memref<128x32xf32, #tpu.memory_space<vmem>>) offsets(%dma_start3A_122 : memref<128xi32, #tpu.memory_space<vmem>>) semaphore(%arg7 : memref<!tpu.dma_semaphore, #tpu.memory_space<semaphore_mem>>)
    %dma_start3A_126 = arith.constant 7 : i32
    %dma_start3A_127 = arith.constant 0 : i32
    %dma_start3A_128 = arith.constant 7 : i32
    %dma_start3A_129 = arith.constant 0 : i32
    %dma_start3A_130 = arith.constant 0 : i32
    %dma_start3A_131 = arith.constant 0 : i32
    %dma_start3A_132 = tpu.memref_slice %arg6[%dma_start3A_127, %dma_start3A_129, %dma_start3A_130, %dma_start3A_131] : memref<2x10x128x32xf32, #tpu.memory_space<vmem>> -> memref<1x10x128x32xf32, #tpu.memory_space<vmem>>
    %dma_start3A_133 = tpu.memref_squeeze %dma_start3A_132 : memref<1x10x128x32xf32, #tpu.memory_space<vmem>> -> memref<10x128x32xf32, #tpu.memory_space<vmem>>
    %dma_start3A_134 = arith.constant 0 : i32
    %dma_start3A_135 = arith.constant 0 : i32
    %dma_start3A_136 = tpu.memref_slice %dma_start3A_133[%dma_start3A_128, %dma_start3A_134, %dma_start3A_135] : memref<10x128x32xf32, #tpu.memory_space<vmem>> -> memref<1x128x32xf32, #tpu.memory_space<vmem>>
    %dma_start3A_137 = tpu.memref_squeeze %dma_start3A_136 : memref<1x128x32xf32, #tpu.memory_space<vmem>> -> memref<128x32xf32, #tpu.memory_space<vmem>>
    %dma_start3A_138 = arith.constant 0 : i32
    %dma_start3A_139 = tpu.memref_slice %arg5[%dma_start3A_126, %dma_start3A_138] : memref<200x128xi32, #tpu.memory_space<vmem>> -> memref<1x128xi32, #tpu.memory_space<vmem>>
    %dma_start3A_140 = tpu.memref_squeeze %dma_start3A_139 : memref<1x128xi32, #tpu.memory_space<vmem>> -> memref<128xi32, #tpu.memory_space<vmem>>
    %dma_start3A_141 = arith.constant 0 : i32
    %dma_start3A_142 = arith.constant 0 : i32
    %dma_start3A_143 = tpu.memref_slice %arg3[%dma_start3A_141, %dma_start3A_142] : memref<1000000x32xf32, #tpu.memory_space<hbm>> -> memref<1000000x32xf32, #tpu.memory_space<hbm>>
    tpu.enqueue_indirect_dma source(%dma_start3A_143 : memref<1000000x32xf32, #tpu.memory_space<hbm>>) target(%dma_start3A_137 : memref<128x32xf32, #tpu.memory_space<vmem>>) offsets(%dma_start3A_140 : memref<128xi32, #tpu.memory_space<vmem>>) semaphore(%arg7 : memref<!tpu.dma_semaphore, #tpu.memory_space<semaphore_mem>>)
    %dma_start3A_144 = arith.constant 8 : i32
    %dma_start3A_145 = arith.constant 0 : i32
    %dma_start3A_146 = arith.constant 8 : i32
    %dma_start3A_147 = arith.constant 0 : i32
    %dma_start3A_148 = arith.constant 0 : i32
    %dma_start3A_149 = arith.constant 0 : i32
    %dma_start3A_150 = tpu.memref_slice %arg6[%dma_start3A_145, %dma_start3A_147, %dma_start3A_148, %dma_start3A_149] : memref<2x10x128x32xf32, #tpu.memory_space<vmem>> -> memref<1x10x128x32xf32, #tpu.memory_space<vmem>>
    %dma_start3A_151 = tpu.memref_squeeze %dma_start3A_150 : memref<1x10x128x32xf32, #tpu.memory_space<vmem>> -> memref<10x128x32xf32, #tpu.memory_space<vmem>>
    %dma_start3A_152 = arith.constant 0 : i32
    %dma_start3A_153 = arith.constant 0 : i32
    %dma_start3A_154 = tpu.memref_slice %dma_start3A_151[%dma_start3A_146, %dma_start3A_152, %dma_start3A_153] : memref<10x128x32xf32, #tpu.memory_space<vmem>> -> memref<1x128x32xf32, #tpu.memory_space<vmem>>
    %dma_start3A_155 = tpu.memref_squeeze %dma_start3A_154 : memref<1x128x32xf32, #tpu.memory_space<vmem>> -> memref<128x32xf32, #tpu.memory_space<vmem>>
    %dma_start3A_156 = arith.constant 0 : i32
    %dma_start3A_157 = tpu.memref_slice %arg5[%dma_start3A_144, %dma_start3A_156] : memref<200x128xi32, #tpu.memory_space<vmem>> -> memref<1x128xi32, #tpu.memory_space<vmem>>
    %dma_start3A_158 = tpu.memref_squeeze %dma_start3A_157 : memref<1x128xi32, #tpu.memory_space<vmem>> -> memref<128xi32, #tpu.memory_space<vmem>>
    %dma_start3A_159 = arith.constant 0 : i32
    %dma_start3A_160 = arith.constant 0 : i32
    %dma_start3A_161 = tpu.memref_slice %arg3[%dma_start3A_159, %dma_start3A_160] : memref<1000000x32xf32, #tpu.memory_space<hbm>> -> memref<1000000x32xf32, #tpu.memory_space<hbm>>
    tpu.enqueue_indirect_dma source(%dma_start3A_161 : memref<1000000x32xf32, #tpu.memory_space<hbm>>) target(%dma_start3A_155 : memref<128x32xf32, #tpu.memory_space<vmem>>) offsets(%dma_start3A_158 : memref<128xi32, #tpu.memory_space<vmem>>) semaphore(%arg7 : memref<!tpu.dma_semaphore, #tpu.memory_space<semaphore_mem>>)
    %dma_start3A_162 = arith.constant 9 : i32
    %dma_start3A_163 = arith.constant 0 : i32
    %dma_start3A_164 = arith.constant 9 : i32
    %dma_start3A_165 = arith.constant 0 : i32
    %dma_start3A_166 = arith.constant 0 : i32
    %dma_start3A_167 = arith.constant 0 : i32
    %dma_start3A_168 = tpu.memref_slice %arg6[%dma_start3A_163, %dma_start3A_165, %dma_start3A_166, %dma_start3A_167] : memref<2x10x128x32xf32, #tpu.memory_space<vmem>> -> memref<1x10x128x32xf32, #tpu.memory_space<vmem>>
    %dma_start3A_169 = tpu.memref_squeeze %dma_start3A_168 : memref<1x10x128x32xf32, #tpu.memory_space<vmem>> -> memref<10x128x32xf32, #tpu.memory_space<vmem>>
    %dma_start3A_170 = arith.constant 0 : i32
    %dma_start3A_171 = arith.constant 0 : i32
    %dma_start3A_172 = tpu.memref_slice %dma_start3A_169[%dma_start3A_164, %dma_start3A_170, %dma_start3A_171] : memref<10x128x32xf32, #tpu.memory_space<vmem>> -> memref<1x128x32xf32, #tpu.memory_space<vmem>>
    %dma_start3A_173 = tpu.memref_squeeze %dma_start3A_172 : memref<1x128x32xf32, #tpu.memory_space<vmem>> -> memref<128x32xf32, #tpu.memory_space<vmem>>
    %dma_start3A_174 = arith.constant 0 : i32
    %dma_start3A_175 = tpu.memref_slice %arg5[%dma_start3A_162, %dma_start3A_174] : memref<200x128xi32, #tpu.memory_space<vmem>> -> memref<1x128xi32, #tpu.memory_space<vmem>>
    %dma_start3A_176 = tpu.memref_squeeze %dma_start3A_175 : memref<1x128xi32, #tpu.memory_space<vmem>> -> memref<128xi32, #tpu.memory_space<vmem>>
    %dma_start3A_177 = arith.constant 0 : i32
    %dma_start3A_178 = arith.constant 0 : i32
    %dma_start3A_179 = tpu.memref_slice %arg3[%dma_start3A_177, %dma_start3A_178] : memref<1000000x32xf32, #tpu.memory_space<hbm>> -> memref<1000000x32xf32, #tpu.memory_space<hbm>>
    tpu.enqueue_indirect_dma source(%dma_start3A_179 : memref<1000000x32xf32, #tpu.memory_space<hbm>>) target(%dma_start3A_173 : memref<128x32xf32, #tpu.memory_space<vmem>>) offsets(%dma_start3A_176 : memref<128xi32, #tpu.memory_space<vmem>>) semaphore(%arg7 : memref<!tpu.dma_semaphore, #tpu.memory_space<semaphore_mem>>)
    %scan3A = arith.constant 0 : i32
    %scan3A_180 = arith.constant 1 : i32
    %scan3A_181 = arith.constant 0 : i32
    %scan3A_182 = arith.constant 0 : i32
    %scan3A_183 = arith.constant 20 : i32
    %scan3A_184 = arith.addi %scan3A_182, %scan3A_183 : i32
    %scan3A_185 = arith.constant 1 : i32
    scf.for %scan3A_208 = %scan3A_182 to %scan3A_184 step %scan3A_185  : i32 {
      %rem3A = arith.constant 2 : i32
      %rem3A_209 = arith.remsi %scan3A_208, %rem3A : i32
      %eq3A = arith.constant 0 : i32
      %eq3A_210 = arith.cmpi eq, %rem3A_209, %eq3A : i32
      %convert_element_type3A = arith.extui %eq3A_210 : i1 to i32
      %cond3A = arith.constant 0 : i32
      %cond3A_211 = arith.cmpi ne, %convert_element_type3A, %cond3A : i32
      scf.if %cond3A_211 {
        %ge3A = arith.constant 1 : i32
        %ge3A_216 = arith.cmpi sge, %scan3A_208, %ge3A : i32
        %convert_element_type3A_217 = arith.extui %ge3A_216 : i1 to i32
        %cond3A_218 = arith.constant 0 : i32
        %cond3A_219 = arith.cmpi ne, %convert_element_type3A_217, %cond3A_218 : i32
        scf.if %cond3A_219 {
          %dma_wait3A_416 = arith.constant 0 : i32
          %dma_wait3A_417 = arith.constant 0 : i32
          %dma_wait3A_418 = arith.constant 0 : i32
          %dma_wait3A_419 = arith.constant 0 : i32
          %dma_wait3A_420 = tpu.memref_slice %arg6[%scan3A_180, %dma_wait3A_417, %dma_wait3A_418, %dma_wait3A_419] : memref<2x10x128x32xf32, #tpu.memory_space<vmem>> -> memref<1x10x128x32xf32, #tpu.memory_space<vmem>>
          %dma_wait3A_421 = tpu.memref_squeeze %dma_wait3A_420 : memref<1x10x128x32xf32, #tpu.memory_space<vmem>> -> memref<10x128x32xf32, #tpu.memory_space<vmem>>
          %dma_wait3A_422 = arith.constant 0 : i32
          %dma_wait3A_423 = arith.constant 0 : i32
          %dma_wait3A_424 = arith.constant 0 : i32
          %dma_wait3A_425 = tpu.memref_slice %arg4[%add3A, %dma_wait3A_416, %dma_wait3A_422, %dma_wait3A_423, %dma_wait3A_424] : memref<32x20x10x128x32xf32, #tpu.memory_space<hbm>> -> memref<1x1x10x128x32xf32, #tpu.memory_space<hbm>>
          %dma_wait3A_426 = tpu.memref_squeeze %dma_wait3A_425 : memref<1x1x10x128x32xf32, #tpu.memory_space<hbm>> -> memref<10x128x32xf32, #tpu.memory_space<hbm>>
          %dma_wait3A_427 = arith.constant 0 : i32
          %dma_wait3A_428 = arith.constant 0 : i32
          %dma_wait3A_429 = arith.constant 0 : i32
          %dma_wait3A_430 = tpu.memref_slice %arg4[%add3A, %dma_wait3A_416, %dma_wait3A_427, %dma_wait3A_428, %dma_wait3A_429] : memref<32x20x10x128x32xf32, #tpu.memory_space<hbm>> -> memref<1x1x10x128x32xf32, #tpu.memory_space<hbm>>
          %dma_wait3A_431 = tpu.memref_squeeze %dma_wait3A_430 : memref<1x1x10x128x32xf32, #tpu.memory_space<hbm>> -> memref<10x128x32xf32, #tpu.memory_space<hbm>>
          %dma_wait3A_432 = arith.constant 0 : i32
          %dma_wait3A_433 = arith.constant 0 : i32
          %dma_wait3A_434 = arith.constant 0 : i32
          %dma_wait3A_435 = tpu.memref_slice %arg6[%scan3A_180, %dma_wait3A_432, %dma_wait3A_433, %dma_wait3A_434] : memref<2x10x128x32xf32, #tpu.memory_space<vmem>> -> memref<1x10x128x32xf32, #tpu.memory_space<vmem>>
          %dma_wait3A_436 = tpu.memref_squeeze %dma_wait3A_435 : memref<1x10x128x32xf32, #tpu.memory_space<vmem>> -> memref<10x128x32xf32, #tpu.memory_space<vmem>>
          tpu.wait_dma2 semaphore(%arg10 : memref<!tpu.dma_semaphore, #tpu.memory_space<semaphore_mem>>) src(%dma_wait3A_436 : memref<10x128x32xf32, #tpu.memory_space<vmem>>) dst(%dma_wait3A_431 : memref<10x128x32xf32, #tpu.memory_space<hbm>>)
        } else {
        }
        %add3A_220 = arith.constant 1 : i32
        %add3A_221 = arith.addi %scan3A_208, %add3A_220 : i32
        %lt3A = arith.constant 20 : i32
        %lt3A_222 = arith.cmpi slt, %add3A_221, %lt3A : i32
        %convert_element_type3A_223 = arith.extui %lt3A_222 : i1 to i32
        %cond3A_224 = arith.constant 0 : i32
        %cond3A_225 = arith.cmpi ne, %convert_element_type3A_223, %cond3A_224 : i32
        scf.if %cond3A_225 {
          %add3A_416 = arith.constant 1 : i32
          %add3A_417 = arith.addi %scan3A_208, %add3A_416 : i32
          %mul3A_418 = arith.constant 10 : i32
          %mul3A_419 = arith.muli %add3A_417, %mul3A_418 : i32
          %add3A_420 = arith.constant 0 : i32
          %add3A_421 = arith.addi %mul3A_419, %add3A_420 : i32
          %dma_start3A_422 = arith.constant 0 : i32
          %dma_start3A_423 = arith.constant 0 : i32
          %dma_start3A_424 = arith.constant 0 : i32
          %dma_start3A_425 = arith.constant 0 : i32
          %dma_start3A_426 = tpu.memref_slice %arg6[%scan3A_180, %dma_start3A_423, %dma_start3A_424, %dma_start3A_425] : memref<2x10x128x32xf32, #tpu.memory_space<vmem>> -> memref<1x10x128x32xf32, #tpu.memory_space<vmem>>
          %dma_start3A_427 = tpu.memref_squeeze %dma_start3A_426 : memref<1x10x128x32xf32, #tpu.memory_space<vmem>> -> memref<10x128x32xf32, #tpu.memory_space<vmem>>
          %dma_start3A_428 = arith.constant 0 : i32
          %dma_start3A_429 = arith.constant 0 : i32
          %dma_start3A_430 = tpu.memref_slice %dma_start3A_427[%dma_start3A_422, %dma_start3A_428, %dma_start3A_429] : memref<10x128x32xf32, #tpu.memory_space<vmem>> -> memref<1x128x32xf32, #tpu.memory_space<vmem>>
          %dma_start3A_431 = tpu.memref_squeeze %dma_start3A_430 : memref<1x128x32xf32, #tpu.memory_space<vmem>> -> memref<128x32xf32, #tpu.memory_space<vmem>>
          %dma_start3A_432 = arith.constant 0 : i32
          %dma_start3A_433 = tpu.memref_slice %arg5[%add3A_421, %dma_start3A_432] : memref<200x128xi32, #tpu.memory_space<vmem>> -> memref<1x128xi32, #tpu.memory_space<vmem>>
          %dma_start3A_434 = tpu.memref_squeeze %dma_start3A_433 : memref<1x128xi32, #tpu.memory_space<vmem>> -> memref<128xi32, #tpu.memory_space<vmem>>
          %dma_start3A_435 = arith.constant 0 : i32
          %dma_start3A_436 = arith.constant 0 : i32
          %dma_start3A_437 = tpu.memref_slice %arg3[%dma_start3A_435, %dma_start3A_436] : memref<1000000x32xf32, #tpu.memory_space<hbm>> -> memref<1000000x32xf32, #tpu.memory_space<hbm>>
          tpu.enqueue_indirect_dma source(%dma_start3A_437 : memref<1000000x32xf32, #tpu.memory_space<hbm>>) target(%dma_start3A_431 : memref<128x32xf32, #tpu.memory_space<vmem>>) offsets(%dma_start3A_434 : memref<128xi32, #tpu.memory_space<vmem>>) semaphore(%arg8 : memref<!tpu.dma_semaphore, #tpu.memory_space<semaphore_mem>>)
          %mul3A_438 = arith.constant 10 : i32
          %mul3A_439 = arith.muli %add3A_417, %mul3A_438 : i32
          %add3A_440 = arith.constant 1 : i32
          %add3A_441 = arith.addi %mul3A_439, %add3A_440 : i32
          %dma_start3A_442 = arith.constant 1 : i32
          %dma_start3A_443 = arith.constant 0 : i32
          %dma_start3A_444 = arith.constant 0 : i32
          %dma_start3A_445 = arith.constant 0 : i32
          %dma_start3A_446 = tpu.memref_slice %arg6[%scan3A_180, %dma_start3A_443, %dma_start3A_444, %dma_start3A_445] : memref<2x10x128x32xf32, #tpu.memory_space<vmem>> -> memref<1x10x128x32xf32, #tpu.memory_space<vmem>>
          %dma_start3A_447 = tpu.memref_squeeze %dma_start3A_446 : memref<1x10x128x32xf32, #tpu.memory_space<vmem>> -> memref<10x128x32xf32, #tpu.memory_space<vmem>>
          %dma_start3A_448 = arith.constant 0 : i32
          %dma_start3A_449 = arith.constant 0 : i32
          %dma_start3A_450 = tpu.memref_slice %dma_start3A_447[%dma_start3A_442, %dma_start3A_448, %dma_start3A_449] : memref<10x128x32xf32, #tpu.memory_space<vmem>> -> memref<1x128x32xf32, #tpu.memory_space<vmem>>
          %dma_start3A_451 = tpu.memref_squeeze %dma_start3A_450 : memref<1x128x32xf32, #tpu.memory_space<vmem>> -> memref<128x32xf32, #tpu.memory_space<vmem>>
          %dma_start3A_452 = arith.constant 0 : i32
          %dma_start3A_453 = tpu.memref_slice %arg5[%add3A_441, %dma_start3A_452] : memref<200x128xi32, #tpu.memory_space<vmem>> -> memref<1x128xi32, #tpu.memory_space<vmem>>
          %dma_start3A_454 = tpu.memref_squeeze %dma_start3A_453 : memref<1x128xi32, #tpu.memory_space<vmem>> -> memref<128xi32, #tpu.memory_space<vmem>>
          %dma_start3A_455 = arith.constant 0 : i32
          %dma_start3A_456 = arith.constant 0 : i32
          %dma_start3A_457 = tpu.memref_slice %arg3[%dma_start3A_455, %dma_start3A_456] : memref<1000000x32xf32, #tpu.memory_space<hbm>> -> memref<1000000x32xf32, #tpu.memory_space<hbm>>
          tpu.enqueue_indirect_dma source(%dma_start3A_457 : memref<1000000x32xf32, #tpu.memory_space<hbm>>) target(%dma_start3A_451 : memref<128x32xf32, #tpu.memory_space<vmem>>) offsets(%dma_start3A_454 : memref<128xi32, #tpu.memory_space<vmem>>) semaphore(%arg8 : memref<!tpu.dma_semaphore, #tpu.memory_space<semaphore_mem>>)
          %mul3A_458 = arith.constant 10 : i32
          %mul3A_459 = arith.muli %add3A_417, %mul3A_458 : i32
          %add3A_460 = arith.constant 2 : i32
          %add3A_461 = arith.addi %mul3A_459, %add3A_460 : i32
          %dma_start3A_462 = arith.constant 2 : i32
          %dma_start3A_463 = arith.constant 0 : i32
          %dma_start3A_464 = arith.constant 0 : i32
          %dma_start3A_465 = arith.constant 0 : i32
          %dma_start3A_466 = tpu.memref_slice %arg6[%scan3A_180, %dma_start3A_463, %dma_start3A_464, %dma_start3A_465] : memref<2x10x128x32xf32, #tpu.memory_space<vmem>> -> memref<1x10x128x32xf32, #tpu.memory_space<vmem>>
          %dma_start3A_467 = tpu.memref_squeeze %dma_start3A_466 : memref<1x10x128x32xf32, #tpu.memory_space<vmem>> -> memref<10x128x32xf32, #tpu.memory_space<vmem>>
          %dma_start3A_468 = arith.constant 0 : i32
          %dma_start3A_469 = arith.constant 0 : i32
          %dma_start3A_470 = tpu.memref_slice %dma_start3A_467[%dma_start3A_462, %dma_start3A_468, %dma_start3A_469] : memref<10x128x32xf32, #tpu.memory_space<vmem>> -> memref<1x128x32xf32, #tpu.memory_space<vmem>>
          %dma_start3A_471 = tpu.memref_squeeze %dma_start3A_470 : memref<1x128x32xf32, #tpu.memory_space<vmem>> -> memref<128x32xf32, #tpu.memory_space<vmem>>
          %dma_start3A_472 = arith.constant 0 : i32
          %dma_start3A_473 = tpu.memref_slice %arg5[%add3A_461, %dma_start3A_472] : memref<200x128xi32, #tpu.memory_space<vmem>> -> memref<1x128xi32, #tpu.memory_space<vmem>>
          %dma_start3A_474 = tpu.memref_squeeze %dma_start3A_473 : memref<1x128xi32, #tpu.memory_space<vmem>> -> memref<128xi32, #tpu.memory_space<vmem>>
          %dma_start3A_475 = arith.constant 0 : i32
          %dma_start3A_476 = arith.constant 0 : i32
          %dma_start3A_477 = tpu.memref_slice %arg3[%dma_start3A_475, %dma_start3A_476] : memref<1000000x32xf32, #tpu.memory_space<hbm>> -> memref<1000000x32xf32, #tpu.memory_space<hbm>>
          tpu.enqueue_indirect_dma source(%dma_start3A_477 : memref<1000000x32xf32, #tpu.memory_space<hbm>>) target(%dma_start3A_471 : memref<128x32xf32, #tpu.memory_space<vmem>>) offsets(%dma_start3A_474 : memref<128xi32, #tpu.memory_space<vmem>>) semaphore(%arg8 : memref<!tpu.dma_semaphore, #tpu.memory_space<semaphore_mem>>)
          %mul3A_478 = arith.constant 10 : i32
          %mul3A_479 = arith.muli %add3A_417, %mul3A_478 : i32
          %add3A_480 = arith.constant 3 : i32
          %add3A_481 = arith.addi %mul3A_479, %add3A_480 : i32
          %dma_start3A_482 = arith.constant 3 : i32
          %dma_start3A_483 = arith.constant 0 : i32
          %dma_start3A_484 = arith.constant 0 : i32
          %dma_start3A_485 = arith.constant 0 : i32
          %dma_start3A_486 = tpu.memref_slice %arg6[%scan3A_180, %dma_start3A_483, %dma_start3A_484, %dma_start3A_485] : memref<2x10x128x32xf32, #tpu.memory_space<vmem>> -> memref<1x10x128x32xf32, #tpu.memory_space<vmem>>
          %dma_start3A_487 = tpu.memref_squeeze %dma_start3A_486 : memref<1x10x128x32xf32, #tpu.memory_space<vmem>> -> memref<10x128x32xf32, #tpu.memory_space<vmem>>
          %dma_start3A_488 = arith.constant 0 : i32
          %dma_start3A_489 = arith.constant 0 : i32
          %dma_start3A_490 = tpu.memref_slice %dma_start3A_487[%dma_start3A_482, %dma_start3A_488, %dma_start3A_489] : memref<10x128x32xf32, #tpu.memory_space<vmem>> -> memref<1x128x32xf32, #tpu.memory_space<vmem>>
          %dma_start3A_491 = tpu.memref_squeeze %dma_start3A_490 : memref<1x128x32xf32, #tpu.memory_space<vmem>> -> memref<128x32xf32, #tpu.memory_space<vmem>>
          %dma_start3A_492 = arith.constant 0 : i32
          %dma_start3A_493 = tpu.memref_slice %arg5[%add3A_481, %dma_start3A_492] : memref<200x128xi32, #tpu.memory_space<vmem>> -> memref<1x128xi32, #tpu.memory_space<vmem>>
          %dma_start3A_494 = tpu.memref_squeeze %dma_start3A_493 : memref<1x128xi32, #tpu.memory_space<vmem>> -> memref<128xi32, #tpu.memory_space<vmem>>
          %dma_start3A_495 = arith.constant 0 : i32
          %dma_start3A_496 = arith.constant 0 : i32
          %dma_start3A_497 = tpu.memref_slice %arg3[%dma_start3A_495, %dma_start3A_496] : memref<1000000x32xf32, #tpu.memory_space<hbm>> -> memref<1000000x32xf32, #tpu.memory_space<hbm>>
          tpu.enqueue_indirect_dma source(%dma_start3A_497 : memref<1000000x32xf32, #tpu.memory_space<hbm>>) target(%dma_start3A_491 : memref<128x32xf32, #tpu.memory_space<vmem>>) offsets(%dma_start3A_494 : memref<128xi32, #tpu.memory_space<vmem>>) semaphore(%arg8 : memref<!tpu.dma_semaphore, #tpu.memory_space<semaphore_mem>>)
          %mul3A_498 = arith.constant 10 : i32
          %mul3A_499 = arith.muli %add3A_417, %mul3A_498 : i32
          %add3A_500 = arith.constant 4 : i32
          %add3A_501 = arith.addi %mul3A_499, %add3A_500 : i32
          %dma_start3A_502 = arith.constant 4 : i32
          %dma_start3A_503 = arith.constant 0 : i32
          %dma_start3A_504 = arith.constant 0 : i32
          %dma_start3A_505 = arith.constant 0 : i32
          %dma_start3A_506 = tpu.memref_slice %arg6[%scan3A_180, %dma_start3A_503, %dma_start3A_504, %dma_start3A_505] : memref<2x10x128x32xf32, #tpu.memory_space<vmem>> -> memref<1x10x128x32xf32, #tpu.memory_space<vmem>>
          %dma_start3A_507 = tpu.memref_squeeze %dma_start3A_506 : memref<1x10x128x32xf32, #tpu.memory_space<vmem>> -> memref<10x128x32xf32, #tpu.memory_space<vmem>>
          %dma_start3A_508 = arith.constant 0 : i32
          %dma_start3A_509 = arith.constant 0 : i32
          %dma_start3A_510 = tpu.memref_slice %dma_start3A_507[%dma_start3A_502, %dma_start3A_508, %dma_start3A_509] : memref<10x128x32xf32, #tpu.memory_space<vmem>> -> memref<1x128x32xf32, #tpu.memory_space<vmem>>
          %dma_start3A_511 = tpu.memref_squeeze %dma_start3A_510 : memref<1x128x32xf32, #tpu.memory_space<vmem>> -> memref<128x32xf32, #tpu.memory_space<vmem>>
          %dma_start3A_512 = arith.constant 0 : i32
          %dma_start3A_513 = tpu.memref_slice %arg5[%add3A_501, %dma_start3A_512] : memref<200x128xi32, #tpu.memory_space<vmem>> -> memref<1x128xi32, #tpu.memory_space<vmem>>
          %dma_start3A_514 = tpu.memref_squeeze %dma_start3A_513 : memref<1x128xi32, #tpu.memory_space<vmem>> -> memref<128xi32, #tpu.memory_space<vmem>>
          %dma_start3A_515 = arith.constant 0 : i32
          %dma_start3A_516 = arith.constant 0 : i32
          %dma_start3A_517 = tpu.memref_slice %arg3[%dma_start3A_515, %dma_start3A_516] : memref<1000000x32xf32, #tpu.memory_space<hbm>> -> memref<1000000x32xf32, #tpu.memory_space<hbm>>
          tpu.enqueue_indirect_dma source(%dma_start3A_517 : memref<1000000x32xf32, #tpu.memory_space<hbm>>) target(%dma_start3A_511 : memref<128x32xf32, #tpu.memory_space<vmem>>) offsets(%dma_start3A_514 : memref<128xi32, #tpu.memory_space<vmem>>) semaphore(%arg8 : memref<!tpu.dma_semaphore, #tpu.memory_space<semaphore_mem>>)
          %mul3A_518 = arith.constant 10 : i32
          %mul3A_519 = arith.muli %add3A_417, %mul3A_518 : i32
          %add3A_520 = arith.constant 5 : i32
          %add3A_521 = arith.addi %mul3A_519, %add3A_520 : i32
          %dma_start3A_522 = arith.constant 5 : i32
          %dma_start3A_523 = arith.constant 0 : i32
          %dma_start3A_524 = arith.constant 0 : i32
          %dma_start3A_525 = arith.constant 0 : i32
          %dma_start3A_526 = tpu.memref_slice %arg6[%scan3A_180, %dma_start3A_523, %dma_start3A_524, %dma_start3A_525] : memref<2x10x128x32xf32, #tpu.memory_space<vmem>> -> memref<1x10x128x32xf32, #tpu.memory_space<vmem>>
          %dma_start3A_527 = tpu.memref_squeeze %dma_start3A_526 : memref<1x10x128x32xf32, #tpu.memory_space<vmem>> -> memref<10x128x32xf32, #tpu.memory_space<vmem>>
          %dma_start3A_528 = arith.constant 0 : i32
          %dma_start3A_529 = arith.constant 0 : i32
          %dma_start3A_530 = tpu.memref_slice %dma_start3A_527[%dma_start3A_522, %dma_start3A_528, %dma_start3A_529] : memref<10x128x32xf32, #tpu.memory_space<vmem>> -> memref<1x128x32xf32, #tpu.memory_space<vmem>>
          %dma_start3A_531 = tpu.memref_squeeze %dma_start3A_530 : memref<1x128x32xf32, #tpu.memory_space<vmem>> -> memref<128x32xf32, #tpu.memory_space<vmem>>
          %dma_start3A_532 = arith.constant 0 : i32
          %dma_start3A_533 = tpu.memref_slice %arg5[%add3A_521, %dma_start3A_532] : memref<200x128xi32, #tpu.memory_space<vmem>> -> memref<1x128xi32, #tpu.memory_space<vmem>>
          %dma_start3A_534 = tpu.memref_squeeze %dma_start3A_533 : memref<1x128xi32, #tpu.memory_space<vmem>> -> memref<128xi32, #tpu.memory_space<vmem>>
          %dma_start3A_535 = arith.constant 0 : i32
          %dma_start3A_536 = arith.constant 0 : i32
          %dma_start3A_537 = tpu.memref_slice %arg3[%dma_start3A_535, %dma_start3A_536] : memref<1000000x32xf32, #tpu.memory_space<hbm>> -> memref<1000000x32xf32, #tpu.memory_space<hbm>>
          tpu.enqueue_indirect_dma source(%dma_start3A_537 : memref<1000000x32xf32, #tpu.memory_space<hbm>>) target(%dma_start3A_531 : memref<128x32xf32, #tpu.memory_space<vmem>>) offsets(%dma_start3A_534 : memref<128xi32, #tpu.memory_space<vmem>>) semaphore(%arg8 : memref<!tpu.dma_semaphore, #tpu.memory_space<semaphore_mem>>)
          %mul3A_538 = arith.constant 10 : i32
          %mul3A_539 = arith.muli %add3A_417, %mul3A_538 : i32
          %add3A_540 = arith.constant 6 : i32
          %add3A_541 = arith.addi %mul3A_539, %add3A_540 : i32
          %dma_start3A_542 = arith.constant 6 : i32
          %dma_start3A_543 = arith.constant 0 : i32
          %dma_start3A_544 = arith.constant 0 : i32
          %dma_start3A_545 = arith.constant 0 : i32
          %dma_start3A_546 = tpu.memref_slice %arg6[%scan3A_180, %dma_start3A_543, %dma_start3A_544, %dma_start3A_545] : memref<2x10x128x32xf32, #tpu.memory_space<vmem>> -> memref<1x10x128x32xf32, #tpu.memory_space<vmem>>
          %dma_start3A_547 = tpu.memref_squeeze %dma_start3A_546 : memref<1x10x128x32xf32, #tpu.memory_space<vmem>> -> memref<10x128x32xf32, #tpu.memory_space<vmem>>
          %dma_start3A_548 = arith.constant 0 : i32
          %dma_start3A_549 = arith.constant 0 : i32
          %dma_start3A_550 = tpu.memref_slice %dma_start3A_547[%dma_start3A_542, %dma_start3A_548, %dma_start3A_549] : memref<10x128x32xf32, #tpu.memory_space<vmem>> -> memref<1x128x32xf32, #tpu.memory_space<vmem>>
          %dma_start3A_551 = tpu.memref_squeeze %dma_start3A_550 : memref<1x128x32xf32, #tpu.memory_space<vmem>> -> memref<128x32xf32, #tpu.memory_space<vmem>>
          %dma_start3A_552 = arith.constant 0 : i32
          %dma_start3A_553 = tpu.memref_slice %arg5[%add3A_541, %dma_start3A_552] : memref<200x128xi32, #tpu.memory_space<vmem>> -> memref<1x128xi32, #tpu.memory_space<vmem>>
          %dma_start3A_554 = tpu.memref_squeeze %dma_start3A_553 : memref<1x128xi32, #tpu.memory_space<vmem>> -> memref<128xi32, #tpu.memory_space<vmem>>
          %dma_start3A_555 = arith.constant 0 : i32
          %dma_start3A_556 = arith.constant 0 : i32
          %dma_start3A_557 = tpu.memref_slice %arg3[%dma_start3A_555, %dma_start3A_556] : memref<1000000x32xf32, #tpu.memory_space<hbm>> -> memref<1000000x32xf32, #tpu.memory_space<hbm>>
          tpu.enqueue_indirect_dma source(%dma_start3A_557 : memref<1000000x32xf32, #tpu.memory_space<hbm>>) target(%dma_start3A_551 : memref<128x32xf32, #tpu.memory_space<vmem>>) offsets(%dma_start3A_554 : memref<128xi32, #tpu.memory_space<vmem>>) semaphore(%arg8 : memref<!tpu.dma_semaphore, #tpu.memory_space<semaphore_mem>>)
          %mul3A_558 = arith.constant 10 : i32
          %mul3A_559 = arith.muli %add3A_417, %mul3A_558 : i32
          %add3A_560 = arith.constant 7 : i32
          %add3A_561 = arith.addi %mul3A_559, %add3A_560 : i32
          %dma_start3A_562 = arith.constant 7 : i32
          %dma_start3A_563 = arith.constant 0 : i32
          %dma_start3A_564 = arith.constant 0 : i32
          %dma_start3A_565 = arith.constant 0 : i32
          %dma_start3A_566 = tpu.memref_slice %arg6[%scan3A_180, %dma_start3A_563, %dma_start3A_564, %dma_start3A_565] : memref<2x10x128x32xf32, #tpu.memory_space<vmem>> -> memref<1x10x128x32xf32, #tpu.memory_space<vmem>>
          %dma_start3A_567 = tpu.memref_squeeze %dma_start3A_566 : memref<1x10x128x32xf32, #tpu.memory_space<vmem>> -> memref<10x128x32xf32, #tpu.memory_space<vmem>>
          %dma_start3A_568 = arith.constant 0 : i32
          %dma_start3A_569 = arith.constant 0 : i32
          %dma_start3A_570 = tpu.memref_slice %dma_start3A_567[%dma_start3A_562, %dma_start3A_568, %dma_start3A_569] : memref<10x128x32xf32, #tpu.memory_space<vmem>> -> memref<1x128x32xf32, #tpu.memory_space<vmem>>
          %dma_start3A_571 = tpu.memref_squeeze %dma_start3A_570 : memref<1x128x32xf32, #tpu.memory_space<vmem>> -> memref<128x32xf32, #tpu.memory_space<vmem>>
          %dma_start3A_572 = arith.constant 0 : i32
          %dma_start3A_573 = tpu.memref_slice %arg5[%add3A_561, %dma_start3A_572] : memref<200x128xi32, #tpu.memory_space<vmem>> -> memref<1x128xi32, #tpu.memory_space<vmem>>
          %dma_start3A_574 = tpu.memref_squeeze %dma_start3A_573 : memref<1x128xi32, #tpu.memory_space<vmem>> -> memref<128xi32, #tpu.memory_space<vmem>>
          %dma_start3A_575 = arith.constant 0 : i32
          %dma_start3A_576 = arith.constant 0 : i32
          %dma_start3A_577 = tpu.memref_slice %arg3[%dma_start3A_575, %dma_start3A_576] : memref<1000000x32xf32, #tpu.memory_space<hbm>> -> memref<1000000x32xf32, #tpu.memory_space<hbm>>
          tpu.enqueue_indirect_dma source(%dma_start3A_577 : memref<1000000x32xf32, #tpu.memory_space<hbm>>) target(%dma_start3A_571 : memref<128x32xf32, #tpu.memory_space<vmem>>) offsets(%dma_start3A_574 : memref<128xi32, #tpu.memory_space<vmem>>) semaphore(%arg8 : memref<!tpu.dma_semaphore, #tpu.memory_space<semaphore_mem>>)
          %mul3A_578 = arith.constant 10 : i32
          %mul3A_579 = arith.muli %add3A_417, %mul3A_578 : i32
          %add3A_580 = arith.constant 8 : i32
          %add3A_581 = arith.addi %mul3A_579, %add3A_580 : i32
          %dma_start3A_582 = arith.constant 8 : i32
          %dma_start3A_583 = arith.constant 0 : i32
          %dma_start3A_584 = arith.constant 0 : i32
          %dma_start3A_585 = arith.constant 0 : i32
          %dma_start3A_586 = tpu.memref_slice %arg6[%scan3A_180, %dma_start3A_583, %dma_start3A_584, %dma_start3A_585] : memref<2x10x128x32xf32, #tpu.memory_space<vmem>> -> memref<1x10x128x32xf32, #tpu.memory_space<vmem>>
          %dma_start3A_587 = tpu.memref_squeeze %dma_start3A_586 : memref<1x10x128x32xf32, #tpu.memory_space<vmem>> -> memref<10x128x32xf32, #tpu.memory_space<vmem>>
          %dma_start3A_588 = arith.constant 0 : i32
          %dma_start3A_589 = arith.constant 0 : i32
          %dma_start3A_590 = tpu.memref_slice %dma_start3A_587[%dma_start3A_582, %dma_start3A_588, %dma_start3A_589] : memref<10x128x32xf32, #tpu.memory_space<vmem>> -> memref<1x128x32xf32, #tpu.memory_space<vmem>>
          %dma_start3A_591 = tpu.memref_squeeze %dma_start3A_590 : memref<1x128x32xf32, #tpu.memory_space<vmem>> -> memref<128x32xf32, #tpu.memory_space<vmem>>
          %dma_start3A_592 = arith.constant 0 : i32
          %dma_start3A_593 = tpu.memref_slice %arg5[%add3A_581, %dma_start3A_592] : memref<200x128xi32, #tpu.memory_space<vmem>> -> memref<1x128xi32, #tpu.memory_space<vmem>>
          %dma_start3A_594 = tpu.memref_squeeze %dma_start3A_593 : memref<1x128xi32, #tpu.memory_space<vmem>> -> memref<128xi32, #tpu.memory_space<vmem>>
          %dma_start3A_595 = arith.constant 0 : i32
          %dma_start3A_596 = arith.constant 0 : i32
          %dma_start3A_597 = tpu.memref_slice %arg3[%dma_start3A_595, %dma_start3A_596] : memref<1000000x32xf32, #tpu.memory_space<hbm>> -> memref<1000000x32xf32, #tpu.memory_space<hbm>>
          tpu.enqueue_indirect_dma source(%dma_start3A_597 : memref<1000000x32xf32, #tpu.memory_space<hbm>>) target(%dma_start3A_591 : memref<128x32xf32, #tpu.memory_space<vmem>>) offsets(%dma_start3A_594 : memref<128xi32, #tpu.memory_space<vmem>>) semaphore(%arg8 : memref<!tpu.dma_semaphore, #tpu.memory_space<semaphore_mem>>)
          %mul3A_598 = arith.constant 10 : i32
          %mul3A_599 = arith.muli %add3A_417, %mul3A_598 : i32
          %add3A_600 = arith.constant 9 : i32
          %add3A_601 = arith.addi %mul3A_599, %add3A_600 : i32
          %dma_start3A_602 = arith.constant 9 : i32
          %dma_start3A_603 = arith.constant 0 : i32
          %dma_start3A_604 = arith.constant 0 : i32
          %dma_start3A_605 = arith.constant 0 : i32
          %dma_start3A_606 = tpu.memref_slice %arg6[%scan3A_180, %dma_start3A_603, %dma_start3A_604, %dma_start3A_605] : memref<2x10x128x32xf32, #tpu.memory_space<vmem>> -> memref<1x10x128x32xf32, #tpu.memory_space<vmem>>
          %dma_start3A_607 = tpu.memref_squeeze %dma_start3A_606 : memref<1x10x128x32xf32, #tpu.memory_space<vmem>> -> memref<10x128x32xf32, #tpu.memory_space<vmem>>
          %dma_start3A_608 = arith.constant 0 : i32
          %dma_start3A_609 = arith.constant 0 : i32
          %dma_start3A_610 = tpu.memref_slice %dma_start3A_607[%dma_start3A_602, %dma_start3A_608, %dma_start3A_609] : memref<10x128x32xf32, #tpu.memory_space<vmem>> -> memref<1x128x32xf32, #tpu.memory_space<vmem>>
          %dma_start3A_611 = tpu.memref_squeeze %dma_start3A_610 : memref<1x128x32xf32, #tpu.memory_space<vmem>> -> memref<128x32xf32, #tpu.memory_space<vmem>>
          %dma_start3A_612 = arith.constant 0 : i32
          %dma_start3A_613 = tpu.memref_slice %arg5[%add3A_601, %dma_start3A_612] : memref<200x128xi32, #tpu.memory_space<vmem>> -> memref<1x128xi32, #tpu.memory_space<vmem>>
          %dma_start3A_614 = tpu.memref_squeeze %dma_start3A_613 : memref<1x128xi32, #tpu.memory_space<vmem>> -> memref<128xi32, #tpu.memory_space<vmem>>
          %dma_start3A_615 = arith.constant 0 : i32
          %dma_start3A_616 = arith.constant 0 : i32
          %dma_start3A_617 = tpu.memref_slice %arg3[%dma_start3A_615, %dma_start3A_616] : memref<1000000x32xf32, #tpu.memory_space<hbm>> -> memref<1000000x32xf32, #tpu.memory_space<hbm>>
          tpu.enqueue_indirect_dma source(%dma_start3A_617 : memref<1000000x32xf32, #tpu.memory_space<hbm>>) target(%dma_start3A_611 : memref<128x32xf32, #tpu.memory_space<vmem>>) offsets(%dma_start3A_614 : memref<128xi32, #tpu.memory_space<vmem>>) semaphore(%arg8 : memref<!tpu.dma_semaphore, #tpu.memory_space<semaphore_mem>>)
        } else {
        }
        %dma_wait3A_226 = arith.constant 0 : i32
        %dma_wait3A_227 = arith.constant 0 : i32
        %dma_wait3A_228 = arith.constant 0 : i32
        %dma_wait3A_229 = arith.constant 0 : i32
        %dma_wait3A_230 = arith.constant 0 : i32
        %dma_wait3A_231 = tpu.memref_slice %arg6[%scan3A_181, %dma_wait3A_228, %dma_wait3A_229, %dma_wait3A_230] : memref<2x10x128x32xf32, #tpu.memory_space<vmem>> -> memref<1x10x128x32xf32, #tpu.memory_space<vmem>>
        %dma_wait3A_232 = tpu.memref_squeeze %dma_wait3A_231 : memref<1x10x128x32xf32, #tpu.memory_space<vmem>> -> memref<10x128x32xf32, #tpu.memory_space<vmem>>
        %dma_wait3A_233 = arith.constant 0 : i32
        %dma_wait3A_234 = arith.constant 0 : i32
        %dma_wait3A_235 = tpu.memref_slice %dma_wait3A_232[%dma_wait3A_227, %dma_wait3A_233, %dma_wait3A_234] : memref<10x128x32xf32, #tpu.memory_space<vmem>> -> memref<1x128x32xf32, #tpu.memory_space<vmem>>
        %dma_wait3A_236 = tpu.memref_squeeze %dma_wait3A_235 : memref<1x128x32xf32, #tpu.memory_space<vmem>> -> memref<128x32xf32, #tpu.memory_space<vmem>>
        %dma_wait3A_237 = arith.constant 0 : i32
        %dma_wait3A_238 = tpu.memref_slice %arg5[%dma_wait3A_226, %dma_wait3A_237] : memref<200x128xi32, #tpu.memory_space<vmem>> -> memref<1x128xi32, #tpu.memory_space<vmem>>
        %dma_wait3A_239 = tpu.memref_squeeze %dma_wait3A_238 : memref<1x128xi32, #tpu.memory_space<vmem>> -> memref<128xi32, #tpu.memory_space<vmem>>
        %dma_wait3A_240 = arith.constant 0 : i32
        %dma_wait3A_241 = arith.constant 0 : i32
        %dma_wait3A_242 = tpu.memref_slice %arg3[%dma_wait3A_240, %dma_wait3A_241] : memref<1000000x32xf32, #tpu.memory_space<hbm>> -> memref<1000000x32xf32, #tpu.memory_space<hbm>>
        tpu.wait_indirect_dma semaphore(%arg7 : memref<!tpu.dma_semaphore, #tpu.memory_space<semaphore_mem>>) src(%dma_wait3A_242 : memref<1000000x32xf32, #tpu.memory_space<hbm>>) dst(%dma_wait3A_236 : memref<128x32xf32, #tpu.memory_space<vmem>>)
        %dma_wait3A_243 = arith.constant 1 : i32
        %dma_wait3A_244 = arith.constant 1 : i32
        %dma_wait3A_245 = arith.constant 0 : i32
        %dma_wait3A_246 = arith.constant 0 : i32
        %dma_wait3A_247 = arith.constant 0 : i32
        %dma_wait3A_248 = tpu.memref_slice %arg6[%scan3A_181, %dma_wait3A_245, %dma_wait3A_246, %dma_wait3A_247] : memref<2x10x128x32xf32, #tpu.memory_space<vmem>> -> memref<1x10x128x32xf32, #tpu.memory_space<vmem>>
        %dma_wait3A_249 = tpu.memref_squeeze %dma_wait3A_248 : memref<1x10x128x32xf32, #tpu.memory_space<vmem>> -> memref<10x128x32xf32, #tpu.memory_space<vmem>>
        %dma_wait3A_250 = arith.constant 0 : i32
        %dma_wait3A_251 = arith.constant 0 : i32
        %dma_wait3A_252 = tpu.memref_slice %dma_wait3A_249[%dma_wait3A_244, %dma_wait3A_250, %dma_wait3A_251] : memref<10x128x32xf32, #tpu.memory_space<vmem>> -> memref<1x128x32xf32, #tpu.memory_space<vmem>>
        %dma_wait3A_253 = tpu.memref_squeeze %dma_wait3A_252 : memref<1x128x32xf32, #tpu.memory_space<vmem>> -> memref<128x32xf32, #tpu.memory_space<vmem>>
        %dma_wait3A_254 = arith.constant 0 : i32
        %dma_wait3A_255 = tpu.memref_slice %arg5[%dma_wait3A_243, %dma_wait3A_254] : memref<200x128xi32, #tpu.memory_space<vmem>> -> memref<1x128xi32, #tpu.memory_space<vmem>>
        %dma_wait3A_256 = tpu.memref_squeeze %dma_wait3A_255 : memref<1x128xi32, #tpu.memory_space<vmem>> -> memref<128xi32, #tpu.memory_space<vmem>>
        %dma_wait3A_257 = arith.constant 0 : i32
        %dma_wait3A_258 = arith.constant 0 : i32
        %dma_wait3A_259 = tpu.memref_slice %arg3[%dma_wait3A_257, %dma_wait3A_258] : memref<1000000x32xf32, #tpu.memory_space<hbm>> -> memref<1000000x32xf32, #tpu.memory_space<hbm>>
        tpu.wait_indirect_dma semaphore(%arg7 : memref<!tpu.dma_semaphore, #tpu.memory_space<semaphore_mem>>) src(%dma_wait3A_259 : memref<1000000x32xf32, #tpu.memory_space<hbm>>) dst(%dma_wait3A_253 : memref<128x32xf32, #tpu.memory_space<vmem>>)
        %dma_wait3A_260 = arith.constant 2 : i32
        %dma_wait3A_261 = arith.constant 2 : i32
        %dma_wait3A_262 = arith.constant 0 : i32
        %dma_wait3A_263 = arith.constant 0 : i32
        %dma_wait3A_264 = arith.constant 0 : i32
        %dma_wait3A_265 = tpu.memref_slice %arg6[%scan3A_181, %dma_wait3A_262, %dma_wait3A_263, %dma_wait3A_264] : memref<2x10x128x32xf32, #tpu.memory_space<vmem>> -> memref<1x10x128x32xf32, #tpu.memory_space<vmem>>
        %dma_wait3A_266 = tpu.memref_squeeze %dma_wait3A_265 : memref<1x10x128x32xf32, #tpu.memory_space<vmem>> -> memref<10x128x32xf32, #tpu.memory_space<vmem>>
        %dma_wait3A_267 = arith.constant 0 : i32
        %dma_wait3A_268 = arith.constant 0 : i32
        %dma_wait3A_269 = tpu.memref_slice %dma_wait3A_266[%dma_wait3A_261, %dma_wait3A_267, %dma_wait3A_268] : memref<10x128x32xf32, #tpu.memory_space<vmem>> -> memref<1x128x32xf32, #tpu.memory_space<vmem>>
        %dma_wait3A_270 = tpu.memref_squeeze %dma_wait3A_269 : memref<1x128x32xf32, #tpu.memory_space<vmem>> -> memref<128x32xf32, #tpu.memory_space<vmem>>
        %dma_wait3A_271 = arith.constant 0 : i32
        %dma_wait3A_272 = tpu.memref_slice %arg5[%dma_wait3A_260, %dma_wait3A_271] : memref<200x128xi32, #tpu.memory_space<vmem>> -> memref<1x128xi32, #tpu.memory_space<vmem>>
        %dma_wait3A_273 = tpu.memref_squeeze %dma_wait3A_272 : memref<1x128xi32, #tpu.memory_space<vmem>> -> memref<128xi32, #tpu.memory_space<vmem>>
        %dma_wait3A_274 = arith.constant 0 : i32
        %dma_wait3A_275 = arith.constant 0 : i32
        %dma_wait3A_276 = tpu.memref_slice %arg3[%dma_wait3A_274, %dma_wait3A_275] : memref<1000000x32xf32, #tpu.memory_space<hbm>> -> memref<1000000x32xf32, #tpu.memory_space<hbm>>
        tpu.wait_indirect_dma semaphore(%arg7 : memref<!tpu.dma_semaphore, #tpu.memory_space<semaphore_mem>>) src(%dma_wait3A_276 : memref<1000000x32xf32, #tpu.memory_space<hbm>>) dst(%dma_wait3A_270 : memref<128x32xf32, #tpu.memory_space<vmem>>)
        %dma_wait3A_277 = arith.constant 3 : i32
        %dma_wait3A_278 = arith.constant 3 : i32
        %dma_wait3A_279 = arith.constant 0 : i32
        %dma_wait3A_280 = arith.constant 0 : i32
        %dma_wait3A_281 = arith.constant 0 : i32
        %dma_wait3A_282 = tpu.memref_slice %arg6[%scan3A_181, %dma_wait3A_279, %dma_wait3A_280, %dma_wait3A_281] : memref<2x10x128x32xf32, #tpu.memory_space<vmem>> -> memref<1x10x128x32xf32, #tpu.memory_space<vmem>>
        %dma_wait3A_283 = tpu.memref_squeeze %dma_wait3A_282 : memref<1x10x128x32xf32, #tpu.memory_space<vmem>> -> memref<10x128x32xf32, #tpu.memory_space<vmem>>
        %dma_wait3A_284 = arith.constant 0 : i32
        %dma_wait3A_285 = arith.constant 0 : i32
        %dma_wait3A_286 = tpu.memref_slice %dma_wait3A_283[%dma_wait3A_278, %dma_wait3A_284, %dma_wait3A_285] : memref<10x128x32xf32, #tpu.memory_space<vmem>> -> memref<1x128x32xf32, #tpu.memory_space<vmem>>
        %dma_wait3A_287 = tpu.memref_squeeze %dma_wait3A_286 : memref<1x128x32xf32, #tpu.memory_space<vmem>> -> memref<128x32xf32, #tpu.memory_space<vmem>>
        %dma_wait3A_288 = arith.constant 0 : i32
        %dma_wait3A_289 = tpu.memref_slice %arg5[%dma_wait3A_277, %dma_wait3A_288] : memref<200x128xi32, #tpu.memory_space<vmem>> -> memref<1x128xi32, #tpu.memory_space<vmem>>
        %dma_wait3A_290 = tpu.memref_squeeze %dma_wait3A_289 : memref<1x128xi32, #tpu.memory_space<vmem>> -> memref<128xi32, #tpu.memory_space<vmem>>
        %dma_wait3A_291 = arith.constant 0 : i32
        %dma_wait3A_292 = arith.constant 0 : i32
        %dma_wait3A_293 = tpu.memref_slice %arg3[%dma_wait3A_291, %dma_wait3A_292] : memref<1000000x32xf32, #tpu.memory_space<hbm>> -> memref<1000000x32xf32, #tpu.memory_space<hbm>>
        tpu.wait_indirect_dma semaphore(%arg7 : memref<!tpu.dma_semaphore, #tpu.memory_space<semaphore_mem>>) src(%dma_wait3A_293 : memref<1000000x32xf32, #tpu.memory_space<hbm>>) dst(%dma_wait3A_287 : memref<128x32xf32, #tpu.memory_space<vmem>>)
        %dma_wait3A_294 = arith.constant 4 : i32
        %dma_wait3A_295 = arith.constant 4 : i32
        %dma_wait3A_296 = arith.constant 0 : i32
        %dma_wait3A_297 = arith.constant 0 : i32
        %dma_wait3A_298 = arith.constant 0 : i32
        %dma_wait3A_299 = tpu.memref_slice %arg6[%scan3A_181, %dma_wait3A_296, %dma_wait3A_297, %dma_wait3A_298] : memref<2x10x128x32xf32, #tpu.memory_space<vmem>> -> memref<1x10x128x32xf32, #tpu.memory_space<vmem>>
        %dma_wait3A_300 = tpu.memref_squeeze %dma_wait3A_299 : memref<1x10x128x32xf32, #tpu.memory_space<vmem>> -> memref<10x128x32xf32, #tpu.memory_space<vmem>>
        %dma_wait3A_301 = arith.constant 0 : i32
        %dma_wait3A_302 = arith.constant 0 : i32
        %dma_wait3A_303 = tpu.memref_slice %dma_wait3A_300[%dma_wait3A_295, %dma_wait3A_301, %dma_wait3A_302] : memref<10x128x32xf32, #tpu.memory_space<vmem>> -> memref<1x128x32xf32, #tpu.memory_space<vmem>>
        %dma_wait3A_304 = tpu.memref_squeeze %dma_wait3A_303 : memref<1x128x32xf32, #tpu.memory_space<vmem>> -> memref<128x32xf32, #tpu.memory_space<vmem>>
        %dma_wait3A_305 = arith.constant 0 : i32
        %dma_wait3A_306 = tpu.memref_slice %arg5[%dma_wait3A_294, %dma_wait3A_305] : memref<200x128xi32, #tpu.memory_space<vmem>> -> memref<1x128xi32, #tpu.memory_space<vmem>>
        %dma_wait3A_307 = tpu.memref_squeeze %dma_wait3A_306 : memref<1x128xi32, #tpu.memory_space<vmem>> -> memref<128xi32, #tpu.memory_space<vmem>>
        %dma_wait3A_308 = arith.constant 0 : i32
        %dma_wait3A_309 = arith.constant 0 : i32
        %dma_wait3A_310 = tpu.memref_slice %arg3[%dma_wait3A_308, %dma_wait3A_309] : memref<1000000x32xf32, #tpu.memory_space<hbm>> -> memref<1000000x32xf32, #tpu.memory_space<hbm>>
        tpu.wait_indirect_dma semaphore(%arg7 : memref<!tpu.dma_semaphore, #tpu.memory_space<semaphore_mem>>) src(%dma_wait3A_310 : memref<1000000x32xf32, #tpu.memory_space<hbm>>) dst(%dma_wait3A_304 : memref<128x32xf32, #tpu.memory_space<vmem>>)
        %dma_wait3A_311 = arith.constant 5 : i32
        %dma_wait3A_312 = arith.constant 5 : i32
        %dma_wait3A_313 = arith.constant 0 : i32
        %dma_wait3A_314 = arith.constant 0 : i32
        %dma_wait3A_315 = arith.constant 0 : i32
        %dma_wait3A_316 = tpu.memref_slice %arg6[%scan3A_181, %dma_wait3A_313, %dma_wait3A_314, %dma_wait3A_315] : memref<2x10x128x32xf32, #tpu.memory_space<vmem>> -> memref<1x10x128x32xf32, #tpu.memory_space<vmem>>
        %dma_wait3A_317 = tpu.memref_squeeze %dma_wait3A_316 : memref<1x10x128x32xf32, #tpu.memory_space<vmem>> -> memref<10x128x32xf32, #tpu.memory_space<vmem>>
        %dma_wait3A_318 = arith.constant 0 : i32
        %dma_wait3A_319 = arith.constant 0 : i32
        %dma_wait3A_320 = tpu.memref_slice %dma_wait3A_317[%dma_wait3A_312, %dma_wait3A_318, %dma_wait3A_319] : memref<10x128x32xf32, #tpu.memory_space<vmem>> -> memref<1x128x32xf32, #tpu.memory_space<vmem>>
        %dma_wait3A_321 = tpu.memref_squeeze %dma_wait3A_320 : memref<1x128x32xf32, #tpu.memory_space<vmem>> -> memref<128x32xf32, #tpu.memory_space<vmem>>
        %dma_wait3A_322 = arith.constant 0 : i32
        %dma_wait3A_323 = tpu.memref_slice %arg5[%dma_wait3A_311, %dma_wait3A_322] : memref<200x128xi32, #tpu.memory_space<vmem>> -> memref<1x128xi32, #tpu.memory_space<vmem>>
        %dma_wait3A_324 = tpu.memref_squeeze %dma_wait3A_323 : memref<1x128xi32, #tpu.memory_space<vmem>> -> memref<128xi32, #tpu.memory_space<vmem>>
        %dma_wait3A_325 = arith.constant 0 : i32
        %dma_wait3A_326 = arith.constant 0 : i32
        %dma_wait3A_327 = tpu.memref_slice %arg3[%dma_wait3A_325, %dma_wait3A_326] : memref<1000000x32xf32, #tpu.memory_space<hbm>> -> memref<1000000x32xf32, #tpu.memory_space<hbm>>
        tpu.wait_indirect_dma semaphore(%arg7 : memref<!tpu.dma_semaphore, #tpu.memory_space<semaphore_mem>>) src(%dma_wait3A_327 : memref<1000000x32xf32, #tpu.memory_space<hbm>>) dst(%dma_wait3A_321 : memref<128x32xf32, #tpu.memory_space<vmem>>)
        %dma_wait3A_328 = arith.constant 6 : i32
        %dma_wait3A_329 = arith.constant 6 : i32
        %dma_wait3A_330 = arith.constant 0 : i32
        %dma_wait3A_331 = arith.constant 0 : i32
        %dma_wait3A_332 = arith.constant 0 : i32
        %dma_wait3A_333 = tpu.memref_slice %arg6[%scan3A_181, %dma_wait3A_330, %dma_wait3A_331, %dma_wait3A_332] : memref<2x10x128x32xf32, #tpu.memory_space<vmem>> -> memref<1x10x128x32xf32, #tpu.memory_space<vmem>>
        %dma_wait3A_334 = tpu.memref_squeeze %dma_wait3A_333 : memref<1x10x128x32xf32, #tpu.memory_space<vmem>> -> memref<10x128x32xf32, #tpu.memory_space<vmem>>
        %dma_wait3A_335 = arith.constant 0 : i32
        %dma_wait3A_336 = arith.constant 0 : i32
        %dma_wait3A_337 = tpu.memref_slice %dma_wait3A_334[%dma_wait3A_329, %dma_wait3A_335, %dma_wait3A_336] : memref<10x128x32xf32, #tpu.memory_space<vmem>> -> memref<1x128x32xf32, #tpu.memory_space<vmem>>
        %dma_wait3A_338 = tpu.memref_squeeze %dma_wait3A_337 : memref<1x128x32xf32, #tpu.memory_space<vmem>> -> memref<128x32xf32, #tpu.memory_space<vmem>>
        %dma_wait3A_339 = arith.constant 0 : i32
        %dma_wait3A_340 = tpu.memref_slice %arg5[%dma_wait3A_328, %dma_wait3A_339] : memref<200x128xi32, #tpu.memory_space<vmem>> -> memref<1x128xi32, #tpu.memory_space<vmem>>
        %dma_wait3A_341 = tpu.memref_squeeze %dma_wait3A_340 : memref<1x128xi32, #tpu.memory_space<vmem>> -> memref<128xi32, #tpu.memory_space<vmem>>
        %dma_wait3A_342 = arith.constant 0 : i32
        %dma_wait3A_343 = arith.constant 0 : i32
        %dma_wait3A_344 = tpu.memref_slice %arg3[%dma_wait3A_342, %dma_wait3A_343] : memref<1000000x32xf32, #tpu.memory_space<hbm>> -> memref<1000000x32xf32, #tpu.memory_space<hbm>>
        tpu.wait_indirect_dma semaphore(%arg7 : memref<!tpu.dma_semaphore, #tpu.memory_space<semaphore_mem>>) src(%dma_wait3A_344 : memref<1000000x32xf32, #tpu.memory_space<hbm>>) dst(%dma_wait3A_338 : memref<128x32xf32, #tpu.memory_space<vmem>>)
        %dma_wait3A_345 = arith.constant 7 : i32
        %dma_wait3A_346 = arith.constant 7 : i32
        %dma_wait3A_347 = arith.constant 0 : i32
        %dma_wait3A_348 = arith.constant 0 : i32
        %dma_wait3A_349 = arith.constant 0 : i32
        %dma_wait3A_350 = tpu.memref_slice %arg6[%scan3A_181, %dma_wait3A_347, %dma_wait3A_348, %dma_wait3A_349] : memref<2x10x128x32xf32, #tpu.memory_space<vmem>> -> memref<1x10x128x32xf32, #tpu.memory_space<vmem>>
        %dma_wait3A_351 = tpu.memref_squeeze %dma_wait3A_350 : memref<1x10x128x32xf32, #tpu.memory_space<vmem>> -> memref<10x128x32xf32, #tpu.memory_space<vmem>>
        %dma_wait3A_352 = arith.constant 0 : i32
        %dma_wait3A_353 = arith.constant 0 : i32
        %dma_wait3A_354 = tpu.memref_slice %dma_wait3A_351[%dma_wait3A_346, %dma_wait3A_352, %dma_wait3A_353] : memref<10x128x32xf32, #tpu.memory_space<vmem>> -> memref<1x128x32xf32, #tpu.memory_space<vmem>>
        %dma_wait3A_355 = tpu.memref_squeeze %dma_wait3A_354 : memref<1x128x32xf32, #tpu.memory_space<vmem>> -> memref<128x32xf32, #tpu.memory_space<vmem>>
        %dma_wait3A_356 = arith.constant 0 : i32
        %dma_wait3A_357 = tpu.memref_slice %arg5[%dma_wait3A_345, %dma_wait3A_356] : memref<200x128xi32, #tpu.memory_space<vmem>> -> memref<1x128xi32, #tpu.memory_space<vmem>>
        %dma_wait3A_358 = tpu.memref_squeeze %dma_wait3A_357 : memref<1x128xi32, #tpu.memory_space<vmem>> -> memref<128xi32, #tpu.memory_space<vmem>>
        %dma_wait3A_359 = arith.constant 0 : i32
        %dma_wait3A_360 = arith.constant 0 : i32
        %dma_wait3A_361 = tpu.memref_slice %arg3[%dma_wait3A_359, %dma_wait3A_360] : memref<1000000x32xf32, #tpu.memory_space<hbm>> -> memref<1000000x32xf32, #tpu.memory_space<hbm>>
        tpu.wait_indirect_dma semaphore(%arg7 : memref<!tpu.dma_semaphore, #tpu.memory_space<semaphore_mem>>) src(%dma_wait3A_361 : memref<1000000x32xf32, #tpu.memory_space<hbm>>) dst(%dma_wait3A_355 : memref<128x32xf32, #tpu.memory_space<vmem>>)
        %dma_wait3A_362 = arith.constant 8 : i32
        %dma_wait3A_363 = arith.constant 8 : i32
        %dma_wait3A_364 = arith.constant 0 : i32
        %dma_wait3A_365 = arith.constant 0 : i32
        %dma_wait3A_366 = arith.constant 0 : i32
        %dma_wait3A_367 = tpu.memref_slice %arg6[%scan3A_181, %dma_wait3A_364, %dma_wait3A_365, %dma_wait3A_366] : memref<2x10x128x32xf32, #tpu.memory_space<vmem>> -> memref<1x10x128x32xf32, #tpu.memory_space<vmem>>
        %dma_wait3A_368 = tpu.memref_squeeze %dma_wait3A_367 : memref<1x10x128x32xf32, #tpu.memory_space<vmem>> -> memref<10x128x32xf32, #tpu.memory_space<vmem>>
        %dma_wait3A_369 = arith.constant 0 : i32
        %dma_wait3A_370 = arith.constant 0 : i32
        %dma_wait3A_371 = tpu.memref_slice %dma_wait3A_368[%dma_wait3A_363, %dma_wait3A_369, %dma_wait3A_370] : memref<10x128x32xf32, #tpu.memory_space<vmem>> -> memref<1x128x32xf32, #tpu.memory_space<vmem>>
        %dma_wait3A_372 = tpu.memref_squeeze %dma_wait3A_371 : memref<1x128x32xf32, #tpu.memory_space<vmem>> -> memref<128x32xf32, #tpu.memory_space<vmem>>
        %dma_wait3A_373 = arith.constant 0 : i32
        %dma_wait3A_374 = tpu.memref_slice %arg5[%dma_wait3A_362, %dma_wait3A_373] : memref<200x128xi32, #tpu.memory_space<vmem>> -> memref<1x128xi32, #tpu.memory_space<vmem>>
        %dma_wait3A_375 = tpu.memref_squeeze %dma_wait3A_374 : memref<1x128xi32, #tpu.memory_space<vmem>> -> memref<128xi32, #tpu.memory_space<vmem>>
        %dma_wait3A_376 = arith.constant 0 : i32
        %dma_wait3A_377 = arith.constant 0 : i32
        %dma_wait3A_378 = tpu.memref_slice %arg3[%dma_wait3A_376, %dma_wait3A_377] : memref<1000000x32xf32, #tpu.memory_space<hbm>> -> memref<1000000x32xf32, #tpu.memory_space<hbm>>
        tpu.wait_indirect_dma semaphore(%arg7 : memref<!tpu.dma_semaphore, #tpu.memory_space<semaphore_mem>>) src(%dma_wait3A_378 : memref<1000000x32xf32, #tpu.memory_space<hbm>>) dst(%dma_wait3A_372 : memref<128x32xf32, #tpu.memory_space<vmem>>)
        %dma_wait3A_379 = arith.constant 9 : i32
        %dma_wait3A_380 = arith.constant 9 : i32
        %dma_wait3A_381 = arith.constant 0 : i32
        %dma_wait3A_382 = arith.constant 0 : i32
        %dma_wait3A_383 = arith.constant 0 : i32
        %dma_wait3A_384 = tpu.memref_slice %arg6[%scan3A_181, %dma_wait3A_381, %dma_wait3A_382, %dma_wait3A_383] : memref<2x10x128x32xf32, #tpu.memory_space<vmem>> -> memref<1x10x128x32xf32, #tpu.memory_space<vmem>>
        %dma_wait3A_385 = tpu.memref_squeeze %dma_wait3A_384 : memref<1x10x128x32xf32, #tpu.memory_space<vmem>> -> memref<10x128x32xf32, #tpu.memory_space<vmem>>
        %dma_wait3A_386 = arith.constant 0 : i32
        %dma_wait3A_387 = arith.constant 0 : i32
        %dma_wait3A_388 = tpu.memref_slice %dma_wait3A_385[%dma_wait3A_380, %dma_wait3A_386, %dma_wait3A_387] : memref<10x128x32xf32, #tpu.memory_space<vmem>> -> memref<1x128x32xf32, #tpu.memory_space<vmem>>
        %dma_wait3A_389 = tpu.memref_squeeze %dma_wait3A_388 : memref<1x128x32xf32, #tpu.memory_space<vmem>> -> memref<128x32xf32, #tpu.memory_space<vmem>>
        %dma_wait3A_390 = arith.constant 0 : i32
        %dma_wait3A_391 = tpu.memref_slice %arg5[%dma_wait3A_379, %dma_wait3A_390] : memref<200x128xi32, #tpu.memory_space<vmem>> -> memref<1x128xi32, #tpu.memory_space<vmem>>
        %dma_wait3A_392 = tpu.memref_squeeze %dma_wait3A_391 : memref<1x128xi32, #tpu.memory_space<vmem>> -> memref<128xi32, #tpu.memory_space<vmem>>
        %dma_wait3A_393 = arith.constant 0 : i32
        %dma_wait3A_394 = arith.constant 0 : i32
        %dma_wait3A_395 = tpu.memref_slice %arg3[%dma_wait3A_393, %dma_wait3A_394] : memref<1000000x32xf32, #tpu.memory_space<hbm>> -> memref<1000000x32xf32, #tpu.memory_space<hbm>>
        tpu.wait_indirect_dma semaphore(%arg7 : memref<!tpu.dma_semaphore, #tpu.memory_space<semaphore_mem>>) src(%dma_wait3A_395 : memref<1000000x32xf32, #tpu.memory_space<hbm>>) dst(%dma_wait3A_389 : memref<128x32xf32, #tpu.memory_space<vmem>>)
        %dma_start3A_396 = arith.constant 0 : i32
        %dma_start3A_397 = arith.constant 0 : i32
        %dma_start3A_398 = arith.constant 0 : i32
        %dma_start3A_399 = tpu.memref_slice %arg6[%scan3A_181, %dma_start3A_396, %dma_start3A_397, %dma_start3A_398] : memref<2x10x128x32xf32, #tpu.memory_space<vmem>> -> memref<1x10x128x32xf32, #tpu.memory_space<vmem>>
        %dma_start3A_400 = tpu.memref_squeeze %dma_start3A_399 : memref<1x10x128x32xf32, #tpu.memory_space<vmem>> -> memref<10x128x32xf32, #tpu.memory_space<vmem>>
        %dma_start3A_401 = arith.constant 0 : i32
        %dma_start3A_402 = arith.constant 0 : i32
        %dma_start3A_403 = arith.constant 0 : i32
        %dma_start3A_404 = tpu.memref_slice %arg4[%add3A, %scan3A_208, %dma_start3A_401, %dma_start3A_402, %dma_start3A_403] : memref<32x20x10x128x32xf32, #tpu.memory_space<hbm>> -> memref<1x1x10x128x32xf32, #tpu.memory_space<hbm>>
        %dma_start3A_405 = tpu.memref_squeeze %dma_start3A_404 : memref<1x1x10x128x32xf32, #tpu.memory_space<hbm>> -> memref<10x128x32xf32, #tpu.memory_space<hbm>>
        %dma_start3A_406 = arith.constant 0 : i32
        %dma_start3A_407 = arith.constant 0 : i32
        %dma_start3A_408 = arith.constant 0 : i32
        %dma_start3A_409 = tpu.memref_slice %arg4[%add3A, %scan3A_208, %dma_start3A_406, %dma_start3A_407, %dma_start3A_408] : memref<32x20x10x128x32xf32, #tpu.memory_space<hbm>> -> memref<1x1x10x128x32xf32, #tpu.memory_space<hbm>>
        %dma_start3A_410 = tpu.memref_squeeze %dma_start3A_409 : memref<1x1x10x128x32xf32, #tpu.memory_space<hbm>> -> memref<10x128x32xf32, #tpu.memory_space<hbm>>
        %dma_start3A_411 = arith.constant 0 : i32
        %dma_start3A_412 = arith.constant 0 : i32
        %dma_start3A_413 = arith.constant 0 : i32
        %dma_start3A_414 = tpu.memref_slice %arg6[%scan3A_181, %dma_start3A_411, %dma_start3A_412, %dma_start3A_413] : memref<2x10x128x32xf32, #tpu.memory_space<vmem>> -> memref<1x10x128x32xf32, #tpu.memory_space<vmem>>
        %dma_start3A_415 = tpu.memref_squeeze %dma_start3A_414 : memref<1x10x128x32xf32, #tpu.memory_space<vmem>> -> memref<10x128x32xf32, #tpu.memory_space<vmem>>
        tpu.enqueue_dma source(%dma_start3A_415 : memref<10x128x32xf32, #tpu.memory_space<vmem>>) target(%dma_start3A_410 : memref<10x128x32xf32, #tpu.memory_space<hbm>>) target_semaphore(%arg9 : memref<!tpu.dma_semaphore, #tpu.memory_space<semaphore_mem>>)
      } else {
      }
      %not3A = arith.constant true
      %not3A_212 = arith.xori %eq3A_210, %not3A : i1
      %convert_element_type3A_213 = arith.extui %not3A_212 : i1 to i32
      %cond3A_214 = arith.constant 0 : i32
      %cond3A_215 = arith.cmpi ne, %convert_element_type3A_213, %cond3A_214 : i32
      scf.if %cond3A_215 {
        %ge3A = arith.constant 1 : i32
        %ge3A_216 = arith.cmpi sge, %scan3A_208, %ge3A : i32
        %convert_element_type3A_217 = arith.extui %ge3A_216 : i1 to i32
        %cond3A_218 = arith.constant 0 : i32
        %cond3A_219 = arith.cmpi ne, %convert_element_type3A_217, %cond3A_218 : i32
        scf.if %cond3A_219 {
          %dma_wait3A_416 = arith.constant 0 : i32
          %dma_wait3A_417 = arith.constant 0 : i32
          %dma_wait3A_418 = arith.constant 0 : i32
          %dma_wait3A_419 = arith.constant 0 : i32
          %dma_wait3A_420 = tpu.memref_slice %arg6[%scan3A_181, %dma_wait3A_417, %dma_wait3A_418, %dma_wait3A_419] : memref<2x10x128x32xf32, #tpu.memory_space<vmem>> -> memref<1x10x128x32xf32, #tpu.memory_space<vmem>>
          %dma_wait3A_421 = tpu.memref_squeeze %dma_wait3A_420 : memref<1x10x128x32xf32, #tpu.memory_space<vmem>> -> memref<10x128x32xf32, #tpu.memory_space<vmem>>
          %dma_wait3A_422 = arith.constant 0 : i32
          %dma_wait3A_423 = arith.constant 0 : i32
          %dma_wait3A_424 = arith.constant 0 : i32
          %dma_wait3A_425 = tpu.memref_slice %arg4[%add3A, %dma_wait3A_416, %dma_wait3A_422, %dma_wait3A_423, %dma_wait3A_424] : memref<32x20x10x128x32xf32, #tpu.memory_space<hbm>> -> memref<1x1x10x128x32xf32, #tpu.memory_space<hbm>>
          %dma_wait3A_426 = tpu.memref_squeeze %dma_wait3A_425 : memref<1x1x10x128x32xf32, #tpu.memory_space<hbm>> -> memref<10x128x32xf32, #tpu.memory_space<hbm>>
          %dma_wait3A_427 = arith.constant 0 : i32
          %dma_wait3A_428 = arith.constant 0 : i32
          %dma_wait3A_429 = arith.constant 0 : i32
          %dma_wait3A_430 = tpu.memref_slice %arg4[%add3A, %dma_wait3A_416, %dma_wait3A_427, %dma_wait3A_428, %dma_wait3A_429] : memref<32x20x10x128x32xf32, #tpu.memory_space<hbm>> -> memref<1x1x10x128x32xf32, #tpu.memory_space<hbm>>
          %dma_wait3A_431 = tpu.memref_squeeze %dma_wait3A_430 : memref<1x1x10x128x32xf32, #tpu.memory_space<hbm>> -> memref<10x128x32xf32, #tpu.memory_space<hbm>>
          %dma_wait3A_432 = arith.constant 0 : i32
          %dma_wait3A_433 = arith.constant 0 : i32
          %dma_wait3A_434 = arith.constant 0 : i32
          %dma_wait3A_435 = tpu.memref_slice %arg6[%scan3A_181, %dma_wait3A_432, %dma_wait3A_433, %dma_wait3A_434] : memref<2x10x128x32xf32, #tpu.memory_space<vmem>> -> memref<1x10x128x32xf32, #tpu.memory_space<vmem>>
          %dma_wait3A_436 = tpu.memref_squeeze %dma_wait3A_435 : memref<1x10x128x32xf32, #tpu.memory_space<vmem>> -> memref<10x128x32xf32, #tpu.memory_space<vmem>>
          tpu.wait_dma2 semaphore(%arg9 : memref<!tpu.dma_semaphore, #tpu.memory_space<semaphore_mem>>) src(%dma_wait3A_436 : memref<10x128x32xf32, #tpu.memory_space<vmem>>) dst(%dma_wait3A_431 : memref<10x128x32xf32, #tpu.memory_space<hbm>>)
        } else {
        }
        %add3A_220 = arith.constant 1 : i32
        %add3A_221 = arith.addi %scan3A_208, %add3A_220 : i32
        %lt3A = arith.constant 20 : i32
        %lt3A_222 = arith.cmpi slt, %add3A_221, %lt3A : i32
        %convert_element_type3A_223 = arith.extui %lt3A_222 : i1 to i32
        %cond3A_224 = arith.constant 0 : i32
        %cond3A_225 = arith.cmpi ne, %convert_element_type3A_223, %cond3A_224 : i32
        scf.if %cond3A_225 {
          %add3A_416 = arith.constant 1 : i32
          %add3A_417 = arith.addi %scan3A_208, %add3A_416 : i32
          %mul3A_418 = arith.constant 10 : i32
          %mul3A_419 = arith.muli %add3A_417, %mul3A_418 : i32
          %add3A_420 = arith.constant 0 : i32
          %add3A_421 = arith.addi %mul3A_419, %add3A_420 : i32
          %dma_start3A_422 = arith.constant 0 : i32
          %dma_start3A_423 = arith.constant 0 : i32
          %dma_start3A_424 = arith.constant 0 : i32
          %dma_start3A_425 = arith.constant 0 : i32
          %dma_start3A_426 = tpu.memref_slice %arg6[%scan3A_181, %dma_start3A_423, %dma_start3A_424, %dma_start3A_425] : memref<2x10x128x32xf32, #tpu.memory_space<vmem>> -> memref<1x10x128x32xf32, #tpu.memory_space<vmem>>
          %dma_start3A_427 = tpu.memref_squeeze %dma_start3A_426 : memref<1x10x128x32xf32, #tpu.memory_space<vmem>> -> memref<10x128x32xf32, #tpu.memory_space<vmem>>
          %dma_start3A_428 = arith.constant 0 : i32
          %dma_start3A_429 = arith.constant 0 : i32
          %dma_start3A_430 = tpu.memref_slice %dma_start3A_427[%dma_start3A_422, %dma_start3A_428, %dma_start3A_429] : memref<10x128x32xf32, #tpu.memory_space<vmem>> -> memref<1x128x32xf32, #tpu.memory_space<vmem>>
          %dma_start3A_431 = tpu.memref_squeeze %dma_start3A_430 : memref<1x128x32xf32, #tpu.memory_space<vmem>> -> memref<128x32xf32, #tpu.memory_space<vmem>>
          %dma_start3A_432 = arith.constant 0 : i32
          %dma_start3A_433 = tpu.memref_slice %arg5[%add3A_421, %dma_start3A_432] : memref<200x128xi32, #tpu.memory_space<vmem>> -> memref<1x128xi32, #tpu.memory_space<vmem>>
          %dma_start3A_434 = tpu.memref_squeeze %dma_start3A_433 : memref<1x128xi32, #tpu.memory_space<vmem>> -> memref<128xi32, #tpu.memory_space<vmem>>
          %dma_start3A_435 = arith.constant 0 : i32
          %dma_start3A_436 = arith.constant 0 : i32
          %dma_start3A_437 = tpu.memref_slice %arg3[%dma_start3A_435, %dma_start3A_436] : memref<1000000x32xf32, #tpu.memory_space<hbm>> -> memref<1000000x32xf32, #tpu.memory_space<hbm>>
          tpu.enqueue_indirect_dma source(%dma_start3A_437 : memref<1000000x32xf32, #tpu.memory_space<hbm>>) target(%dma_start3A_431 : memref<128x32xf32, #tpu.memory_space<vmem>>) offsets(%dma_start3A_434 : memref<128xi32, #tpu.memory_space<vmem>>) semaphore(%arg7 : memref<!tpu.dma_semaphore, #tpu.memory_space<semaphore_mem>>)
          %mul3A_438 = arith.constant 10 : i32
          %mul3A_439 = arith.muli %add3A_417, %mul3A_438 : i32
          %add3A_440 = arith.constant 1 : i32
          %add3A_441 = arith.addi %mul3A_439, %add3A_440 : i32
          %dma_start3A_442 = arith.constant 1 : i32
          %dma_start3A_443 = arith.constant 0 : i32
          %dma_start3A_444 = arith.constant 0 : i32
          %dma_start3A_445 = arith.constant 0 : i32
          %dma_start3A_446 = tpu.memref_slice %arg6[%scan3A_181, %dma_start3A_443, %dma_start3A_444, %dma_start3A_445] : memref<2x10x128x32xf32, #tpu.memory_space<vmem>> -> memref<1x10x128x32xf32, #tpu.memory_space<vmem>>
          %dma_start3A_447 = tpu.memref_squeeze %dma_start3A_446 : memref<1x10x128x32xf32, #tpu.memory_space<vmem>> -> memref<10x128x32xf32, #tpu.memory_space<vmem>>
          %dma_start3A_448 = arith.constant 0 : i32
          %dma_start3A_449 = arith.constant 0 : i32
          %dma_start3A_450 = tpu.memref_slice %dma_start3A_447[%dma_start3A_442, %dma_start3A_448, %dma_start3A_449] : memref<10x128x32xf32, #tpu.memory_space<vmem>> -> memref<1x128x32xf32, #tpu.memory_space<vmem>>
          %dma_start3A_451 = tpu.memref_squeeze %dma_start3A_450 : memref<1x128x32xf32, #tpu.memory_space<vmem>> -> memref<128x32xf32, #tpu.memory_space<vmem>>
          %dma_start3A_452 = arith.constant 0 : i32
          %dma_start3A_453 = tpu.memref_slice %arg5[%add3A_441, %dma_start3A_452] : memref<200x128xi32, #tpu.memory_space<vmem>> -> memref<1x128xi32, #tpu.memory_space<vmem>>
          %dma_start3A_454 = tpu.memref_squeeze %dma_start3A_453 : memref<1x128xi32, #tpu.memory_space<vmem>> -> memref<128xi32, #tpu.memory_space<vmem>>
          %dma_start3A_455 = arith.constant 0 : i32
          %dma_start3A_456 = arith.constant 0 : i32
          %dma_start3A_457 = tpu.memref_slice %arg3[%dma_start3A_455, %dma_start3A_456] : memref<1000000x32xf32, #tpu.memory_space<hbm>> -> memref<1000000x32xf32, #tpu.memory_space<hbm>>
          tpu.enqueue_indirect_dma source(%dma_start3A_457 : memref<1000000x32xf32, #tpu.memory_space<hbm>>) target(%dma_start3A_451 : memref<128x32xf32, #tpu.memory_space<vmem>>) offsets(%dma_start3A_454 : memref<128xi32, #tpu.memory_space<vmem>>) semaphore(%arg7 : memref<!tpu.dma_semaphore, #tpu.memory_space<semaphore_mem>>)
          %mul3A_458 = arith.constant 10 : i32
          %mul3A_459 = arith.muli %add3A_417, %mul3A_458 : i32
          %add3A_460 = arith.constant 2 : i32
          %add3A_461 = arith.addi %mul3A_459, %add3A_460 : i32
          %dma_start3A_462 = arith.constant 2 : i32
          %dma_start3A_463 = arith.constant 0 : i32
          %dma_start3A_464 = arith.constant 0 : i32
          %dma_start3A_465 = arith.constant 0 : i32
          %dma_start3A_466 = tpu.memref_slice %arg6[%scan3A_181, %dma_start3A_463, %dma_start3A_464, %dma_start3A_465] : memref<2x10x128x32xf32, #tpu.memory_space<vmem>> -> memref<1x10x128x32xf32, #tpu.memory_space<vmem>>
          %dma_start3A_467 = tpu.memref_squeeze %dma_start3A_466 : memref<1x10x128x32xf32, #tpu.memory_space<vmem>> -> memref<10x128x32xf32, #tpu.memory_space<vmem>>
          %dma_start3A_468 = arith.constant 0 : i32
          %dma_start3A_469 = arith.constant 0 : i32
          %dma_start3A_470 = tpu.memref_slice %dma_start3A_467[%dma_start3A_462, %dma_start3A_468, %dma_start3A_469] : memref<10x128x32xf32, #tpu.memory_space<vmem>> -> memref<1x128x32xf32, #tpu.memory_space<vmem>>
          %dma_start3A_471 = tpu.memref_squeeze %dma_start3A_470 : memref<1x128x32xf32, #tpu.memory_space<vmem>> -> memref<128x32xf32, #tpu.memory_space<vmem>>
          %dma_start3A_472 = arith.constant 0 : i32
          %dma_start3A_473 = tpu.memref_slice %arg5[%add3A_461, %dma_start3A_472] : memref<200x128xi32, #tpu.memory_space<vmem>> -> memref<1x128xi32, #tpu.memory_space<vmem>>
          %dma_start3A_474 = tpu.memref_squeeze %dma_start3A_473 : memref<1x128xi32, #tpu.memory_space<vmem>> -> memref<128xi32, #tpu.memory_space<vmem>>
          %dma_start3A_475 = arith.constant 0 : i32
          %dma_start3A_476 = arith.constant 0 : i32
          %dma_start3A_477 = tpu.memref_slice %arg3[%dma_start3A_475, %dma_start3A_476] : memref<1000000x32xf32, #tpu.memory_space<hbm>> -> memref<1000000x32xf32, #tpu.memory_space<hbm>>
          tpu.enqueue_indirect_dma source(%dma_start3A_477 : memref<1000000x32xf32, #tpu.memory_space<hbm>>) target(%dma_start3A_471 : memref<128x32xf32, #tpu.memory_space<vmem>>) offsets(%dma_start3A_474 : memref<128xi32, #tpu.memory_space<vmem>>) semaphore(%arg7 : memref<!tpu.dma_semaphore, #tpu.memory_space<semaphore_mem>>)
          %mul3A_478 = arith.constant 10 : i32
          %mul3A_479 = arith.muli %add3A_417, %mul3A_478 : i32
          %add3A_480 = arith.constant 3 : i32
          %add3A_481 = arith.addi %mul3A_479, %add3A_480 : i32
          %dma_start3A_482 = arith.constant 3 : i32
          %dma_start3A_483 = arith.constant 0 : i32
          %dma_start3A_484 = arith.constant 0 : i32
          %dma_start3A_485 = arith.constant 0 : i32
          %dma_start3A_486 = tpu.memref_slice %arg6[%scan3A_181, %dma_start3A_483, %dma_start3A_484, %dma_start3A_485] : memref<2x10x128x32xf32, #tpu.memory_space<vmem>> -> memref<1x10x128x32xf32, #tpu.memory_space<vmem>>
          %dma_start3A_487 = tpu.memref_squeeze %dma_start3A_486 : memref<1x10x128x32xf32, #tpu.memory_space<vmem>> -> memref<10x128x32xf32, #tpu.memory_space<vmem>>
          %dma_start3A_488 = arith.constant 0 : i32
          %dma_start3A_489 = arith.constant 0 : i32
          %dma_start3A_490 = tpu.memref_slice %dma_start3A_487[%dma_start3A_482, %dma_start3A_488, %dma_start3A_489] : memref<10x128x32xf32, #tpu.memory_space<vmem>> -> memref<1x128x32xf32, #tpu.memory_space<vmem>>
          %dma_start3A_491 = tpu.memref_squeeze %dma_start3A_490 : memref<1x128x32xf32, #tpu.memory_space<vmem>> -> memref<128x32xf32, #tpu.memory_space<vmem>>
          %dma_start3A_492 = arith.constant 0 : i32
          %dma_start3A_493 = tpu.memref_slice %arg5[%add3A_481, %dma_start3A_492] : memref<200x128xi32, #tpu.memory_space<vmem>> -> memref<1x128xi32, #tpu.memory_space<vmem>>
          %dma_start3A_494 = tpu.memref_squeeze %dma_start3A_493 : memref<1x128xi32, #tpu.memory_space<vmem>> -> memref<128xi32, #tpu.memory_space<vmem>>
          %dma_start3A_495 = arith.constant 0 : i32
          %dma_start3A_496 = arith.constant 0 : i32
          %dma_start3A_497 = tpu.memref_slice %arg3[%dma_start3A_495, %dma_start3A_496] : memref<1000000x32xf32, #tpu.memory_space<hbm>> -> memref<1000000x32xf32, #tpu.memory_space<hbm>>
          tpu.enqueue_indirect_dma source(%dma_start3A_497 : memref<1000000x32xf32, #tpu.memory_space<hbm>>) target(%dma_start3A_491 : memref<128x32xf32, #tpu.memory_space<vmem>>) offsets(%dma_start3A_494 : memref<128xi32, #tpu.memory_space<vmem>>) semaphore(%arg7 : memref<!tpu.dma_semaphore, #tpu.memory_space<semaphore_mem>>)
          %mul3A_498 = arith.constant 10 : i32
          %mul3A_499 = arith.muli %add3A_417, %mul3A_498 : i32
          %add3A_500 = arith.constant 4 : i32
          %add3A_501 = arith.addi %mul3A_499, %add3A_500 : i32
          %dma_start3A_502 = arith.constant 4 : i32
          %dma_start3A_503 = arith.constant 0 : i32
          %dma_start3A_504 = arith.constant 0 : i32
          %dma_start3A_505 = arith.constant 0 : i32
          %dma_start3A_506 = tpu.memref_slice %arg6[%scan3A_181, %dma_start3A_503, %dma_start3A_504, %dma_start3A_505] : memref<2x10x128x32xf32, #tpu.memory_space<vmem>> -> memref<1x10x128x32xf32, #tpu.memory_space<vmem>>
          %dma_start3A_507 = tpu.memref_squeeze %dma_start3A_506 : memref<1x10x128x32xf32, #tpu.memory_space<vmem>> -> memref<10x128x32xf32, #tpu.memory_space<vmem>>
          %dma_start3A_508 = arith.constant 0 : i32
          %dma_start3A_509 = arith.constant 0 : i32
          %dma_start3A_510 = tpu.memref_slice %dma_start3A_507[%dma_start3A_502, %dma_start3A_508, %dma_start3A_509] : memref<10x128x32xf32, #tpu.memory_space<vmem>> -> memref<1x128x32xf32, #tpu.memory_space<vmem>>
          %dma_start3A_511 = tpu.memref_squeeze %dma_start3A_510 : memref<1x128x32xf32, #tpu.memory_space<vmem>> -> memref<128x32xf32, #tpu.memory_space<vmem>>
          %dma_start3A_512 = arith.constant 0 : i32
          %dma_start3A_513 = tpu.memref_slice %arg5[%add3A_501, %dma_start3A_512] : memref<200x128xi32, #tpu.memory_space<vmem>> -> memref<1x128xi32, #tpu.memory_space<vmem>>
          %dma_start3A_514 = tpu.memref_squeeze %dma_start3A_513 : memref<1x128xi32, #tpu.memory_space<vmem>> -> memref<128xi32, #tpu.memory_space<vmem>>
          %dma_start3A_515 = arith.constant 0 : i32
          %dma_start3A_516 = arith.constant 0 : i32
          %dma_start3A_517 = tpu.memref_slice %arg3[%dma_start3A_515, %dma_start3A_516] : memref<1000000x32xf32, #tpu.memory_space<hbm>> -> memref<1000000x32xf32, #tpu.memory_space<hbm>>
          tpu.enqueue_indirect_dma source(%dma_start3A_517 : memref<1000000x32xf32, #tpu.memory_space<hbm>>) target(%dma_start3A_511 : memref<128x32xf32, #tpu.memory_space<vmem>>) offsets(%dma_start3A_514 : memref<128xi32, #tpu.memory_space<vmem>>) semaphore(%arg7 : memref<!tpu.dma_semaphore, #tpu.memory_space<semaphore_mem>>)
          %mul3A_518 = arith.constant 10 : i32
          %mul3A_519 = arith.muli %add3A_417, %mul3A_518 : i32
          %add3A_520 = arith.constant 5 : i32
          %add3A_521 = arith.addi %mul3A_519, %add3A_520 : i32
          %dma_start3A_522 = arith.constant 5 : i32
          %dma_start3A_523 = arith.constant 0 : i32
          %dma_start3A_524 = arith.constant 0 : i32
          %dma_start3A_525 = arith.constant 0 : i32
          %dma_start3A_526 = tpu.memref_slice %arg6[%scan3A_181, %dma_start3A_523, %dma_start3A_524, %dma_start3A_525] : memref<2x10x128x32xf32, #tpu.memory_space<vmem>> -> memref<1x10x128x32xf32, #tpu.memory_space<vmem>>
          %dma_start3A_527 = tpu.memref_squeeze %dma_start3A_526 : memref<1x10x128x32xf32, #tpu.memory_space<vmem>> -> memref<10x128x32xf32, #tpu.memory_space<vmem>>
          %dma_start3A_528 = arith.constant 0 : i32
          %dma_start3A_529 = arith.constant 0 : i32
          %dma_start3A_530 = tpu.memref_slice %dma_start3A_527[%dma_start3A_522, %dma_start3A_528, %dma_start3A_529] : memref<10x128x32xf32, #tpu.memory_space<vmem>> -> memref<1x128x32xf32, #tpu.memory_space<vmem>>
          %dma_start3A_531 = tpu.memref_squeeze %dma_start3A_530 : memref<1x128x32xf32, #tpu.memory_space<vmem>> -> memref<128x32xf32, #tpu.memory_space<vmem>>
          %dma_start3A_532 = arith.constant 0 : i32
          %dma_start3A_533 = tpu.memref_slice %arg5[%add3A_521, %dma_start3A_532] : memref<200x128xi32, #tpu.memory_space<vmem>> -> memref<1x128xi32, #tpu.memory_space<vmem>>
          %dma_start3A_534 = tpu.memref_squeeze %dma_start3A_533 : memref<1x128xi32, #tpu.memory_space<vmem>> -> memref<128xi32, #tpu.memory_space<vmem>>
          %dma_start3A_535 = arith.constant 0 : i32
          %dma_start3A_536 = arith.constant 0 : i32
          %dma_start3A_537 = tpu.memref_slice %arg3[%dma_start3A_535, %dma_start3A_536] : memref<1000000x32xf32, #tpu.memory_space<hbm>> -> memref<1000000x32xf32, #tpu.memory_space<hbm>>
          tpu.enqueue_indirect_dma source(%dma_start3A_537 : memref<1000000x32xf32, #tpu.memory_space<hbm>>) target(%dma_start3A_531 : memref<128x32xf32, #tpu.memory_space<vmem>>) offsets(%dma_start3A_534 : memref<128xi32, #tpu.memory_space<vmem>>) semaphore(%arg7 : memref<!tpu.dma_semaphore, #tpu.memory_space<semaphore_mem>>)
          %mul3A_538 = arith.constant 10 : i32
          %mul3A_539 = arith.muli %add3A_417, %mul3A_538 : i32
          %add3A_540 = arith.constant 6 : i32
          %add3A_541 = arith.addi %mul3A_539, %add3A_540 : i32
          %dma_start3A_542 = arith.constant 6 : i32
          %dma_start3A_543 = arith.constant 0 : i32
          %dma_start3A_544 = arith.constant 0 : i32
          %dma_start3A_545 = arith.constant 0 : i32
          %dma_start3A_546 = tpu.memref_slice %arg6[%scan3A_181, %dma_start3A_543, %dma_start3A_544, %dma_start3A_545] : memref<2x10x128x32xf32, #tpu.memory_space<vmem>> -> memref<1x10x128x32xf32, #tpu.memory_space<vmem>>
          %dma_start3A_547 = tpu.memref_squeeze %dma_start3A_546 : memref<1x10x128x32xf32, #tpu.memory_space<vmem>> -> memref<10x128x32xf32, #tpu.memory_space<vmem>>
          %dma_start3A_548 = arith.constant 0 : i32
          %dma_start3A_549 = arith.constant 0 : i32
          %dma_start3A_550 = tpu.memref_slice %dma_start3A_547[%dma_start3A_542, %dma_start3A_548, %dma_start3A_549] : memref<10x128x32xf32, #tpu.memory_space<vmem>> -> memref<1x128x32xf32, #tpu.memory_space<vmem>>
          %dma_start3A_551 = tpu.memref_squeeze %dma_start3A_550 : memref<1x128x32xf32, #tpu.memory_space<vmem>> -> memref<128x32xf32, #tpu.memory_space<vmem>>
          %dma_start3A_552 = arith.constant 0 : i32
          %dma_start3A_553 = tpu.memref_slice %arg5[%add3A_541, %dma_start3A_552] : memref<200x128xi32, #tpu.memory_space<vmem>> -> memref<1x128xi32, #tpu.memory_space<vmem>>
          %dma_start3A_554 = tpu.memref_squeeze %dma_start3A_553 : memref<1x128xi32, #tpu.memory_space<vmem>> -> memref<128xi32, #tpu.memory_space<vmem>>
          %dma_start3A_555 = arith.constant 0 : i32
          %dma_start3A_556 = arith.constant 0 : i32
          %dma_start3A_557 = tpu.memref_slice %arg3[%dma_start3A_555, %dma_start3A_556] : memref<1000000x32xf32, #tpu.memory_space<hbm>> -> memref<1000000x32xf32, #tpu.memory_space<hbm>>
          tpu.enqueue_indirect_dma source(%dma_start3A_557 : memref<1000000x32xf32, #tpu.memory_space<hbm>>) target(%dma_start3A_551 : memref<128x32xf32, #tpu.memory_space<vmem>>) offsets(%dma_start3A_554 : memref<128xi32, #tpu.memory_space<vmem>>) semaphore(%arg7 : memref<!tpu.dma_semaphore, #tpu.memory_space<semaphore_mem>>)
          %mul3A_558 = arith.constant 10 : i32
          %mul3A_559 = arith.muli %add3A_417, %mul3A_558 : i32
          %add3A_560 = arith.constant 7 : i32
          %add3A_561 = arith.addi %mul3A_559, %add3A_560 : i32
          %dma_start3A_562 = arith.constant 7 : i32
          %dma_start3A_563 = arith.constant 0 : i32
          %dma_start3A_564 = arith.constant 0 : i32
          %dma_start3A_565 = arith.constant 0 : i32
          %dma_start3A_566 = tpu.memref_slice %arg6[%scan3A_181, %dma_start3A_563, %dma_start3A_564, %dma_start3A_565] : memref<2x10x128x32xf32, #tpu.memory_space<vmem>> -> memref<1x10x128x32xf32, #tpu.memory_space<vmem>>
          %dma_start3A_567 = tpu.memref_squeeze %dma_start3A_566 : memref<1x10x128x32xf32, #tpu.memory_space<vmem>> -> memref<10x128x32xf32, #tpu.memory_space<vmem>>
          %dma_start3A_568 = arith.constant 0 : i32
          %dma_start3A_569 = arith.constant 0 : i32
          %dma_start3A_570 = tpu.memref_slice %dma_start3A_567[%dma_start3A_562, %dma_start3A_568, %dma_start3A_569] : memref<10x128x32xf32, #tpu.memory_space<vmem>> -> memref<1x128x32xf32, #tpu.memory_space<vmem>>
          %dma_start3A_571 = tpu.memref_squeeze %dma_start3A_570 : memref<1x128x32xf32, #tpu.memory_space<vmem>> -> memref<128x32xf32, #tpu.memory_space<vmem>>
          %dma_start3A_572 = arith.constant 0 : i32
          %dma_start3A_573 = tpu.memref_slice %arg5[%add3A_561, %dma_start3A_572] : memref<200x128xi32, #tpu.memory_space<vmem>> -> memref<1x128xi32, #tpu.memory_space<vmem>>
          %dma_start3A_574 = tpu.memref_squeeze %dma_start3A_573 : memref<1x128xi32, #tpu.memory_space<vmem>> -> memref<128xi32, #tpu.memory_space<vmem>>
          %dma_start3A_575 = arith.constant 0 : i32
          %dma_start3A_576 = arith.constant 0 : i32
          %dma_start3A_577 = tpu.memref_slice %arg3[%dma_start3A_575, %dma_start3A_576] : memref<1000000x32xf32, #tpu.memory_space<hbm>> -> memref<1000000x32xf32, #tpu.memory_space<hbm>>
          tpu.enqueue_indirect_dma source(%dma_start3A_577 : memref<1000000x32xf32, #tpu.memory_space<hbm>>) target(%dma_start3A_571 : memref<128x32xf32, #tpu.memory_space<vmem>>) offsets(%dma_start3A_574 : memref<128xi32, #tpu.memory_space<vmem>>) semaphore(%arg7 : memref<!tpu.dma_semaphore, #tpu.memory_space<semaphore_mem>>)
          %mul3A_578 = arith.constant 10 : i32
          %mul3A_579 = arith.muli %add3A_417, %mul3A_578 : i32
          %add3A_580 = arith.constant 8 : i32
          %add3A_581 = arith.addi %mul3A_579, %add3A_580 : i32
          %dma_start3A_582 = arith.constant 8 : i32
          %dma_start3A_583 = arith.constant 0 : i32
          %dma_start3A_584 = arith.constant 0 : i32
          %dma_start3A_585 = arith.constant 0 : i32
          %dma_start3A_586 = tpu.memref_slice %arg6[%scan3A_181, %dma_start3A_583, %dma_start3A_584, %dma_start3A_585] : memref<2x10x128x32xf32, #tpu.memory_space<vmem>> -> memref<1x10x128x32xf32, #tpu.memory_space<vmem>>
          %dma_start3A_587 = tpu.memref_squeeze %dma_start3A_586 : memref<1x10x128x32xf32, #tpu.memory_space<vmem>> -> memref<10x128x32xf32, #tpu.memory_space<vmem>>
          %dma_start3A_588 = arith.constant 0 : i32
          %dma_start3A_589 = arith.constant 0 : i32
          %dma_start3A_590 = tpu.memref_slice %dma_start3A_587[%dma_start3A_582, %dma_start3A_588, %dma_start3A_589] : memref<10x128x32xf32, #tpu.memory_space<vmem>> -> memref<1x128x32xf32, #tpu.memory_space<vmem>>
          %dma_start3A_591 = tpu.memref_squeeze %dma_start3A_590 : memref<1x128x32xf32, #tpu.memory_space<vmem>> -> memref<128x32xf32, #tpu.memory_space<vmem>>
          %dma_start3A_592 = arith.constant 0 : i32
          %dma_start3A_593 = tpu.memref_slice %arg5[%add3A_581, %dma_start3A_592] : memref<200x128xi32, #tpu.memory_space<vmem>> -> memref<1x128xi32, #tpu.memory_space<vmem>>
          %dma_start3A_594 = tpu.memref_squeeze %dma_start3A_593 : memref<1x128xi32, #tpu.memory_space<vmem>> -> memref<128xi32, #tpu.memory_space<vmem>>
          %dma_start3A_595 = arith.constant 0 : i32
          %dma_start3A_596 = arith.constant 0 : i32
          %dma_start3A_597 = tpu.memref_slice %arg3[%dma_start3A_595, %dma_start3A_596] : memref<1000000x32xf32, #tpu.memory_space<hbm>> -> memref<1000000x32xf32, #tpu.memory_space<hbm>>
          tpu.enqueue_indirect_dma source(%dma_start3A_597 : memref<1000000x32xf32, #tpu.memory_space<hbm>>) target(%dma_start3A_591 : memref<128x32xf32, #tpu.memory_space<vmem>>) offsets(%dma_start3A_594 : memref<128xi32, #tpu.memory_space<vmem>>) semaphore(%arg7 : memref<!tpu.dma_semaphore, #tpu.memory_space<semaphore_mem>>)
          %mul3A_598 = arith.constant 10 : i32
          %mul3A_599 = arith.muli %add3A_417, %mul3A_598 : i32
          %add3A_600 = arith.constant 9 : i32
          %add3A_601 = arith.addi %mul3A_599, %add3A_600 : i32
          %dma_start3A_602 = arith.constant 9 : i32
          %dma_start3A_603 = arith.constant 0 : i32
          %dma_start3A_604 = arith.constant 0 : i32
          %dma_start3A_605 = arith.constant 0 : i32
          %dma_start3A_606 = tpu.memref_slice %arg6[%scan3A_181, %dma_start3A_603, %dma_start3A_604, %dma_start3A_605] : memref<2x10x128x32xf32, #tpu.memory_space<vmem>> -> memref<1x10x128x32xf32, #tpu.memory_space<vmem>>
          %dma_start3A_607 = tpu.memref_squeeze %dma_start3A_606 : memref<1x10x128x32xf32, #tpu.memory_space<vmem>> -> memref<10x128x32xf32, #tpu.memory_space<vmem>>
          %dma_start3A_608 = arith.constant 0 : i32
          %dma_start3A_609 = arith.constant 0 : i32
          %dma_start3A_610 = tpu.memref_slice %dma_start3A_607[%dma_start3A_602, %dma_start3A_608, %dma_start3A_609] : memref<10x128x32xf32, #tpu.memory_space<vmem>> -> memref<1x128x32xf32, #tpu.memory_space<vmem>>
          %dma_start3A_611 = tpu.memref_squeeze %dma_start3A_610 : memref<1x128x32xf32, #tpu.memory_space<vmem>> -> memref<128x32xf32, #tpu.memory_space<vmem>>
          %dma_start3A_612 = arith.constant 0 : i32
          %dma_start3A_613 = tpu.memref_slice %arg5[%add3A_601, %dma_start3A_612] : memref<200x128xi32, #tpu.memory_space<vmem>> -> memref<1x128xi32, #tpu.memory_space<vmem>>
          %dma_start3A_614 = tpu.memref_squeeze %dma_start3A_613 : memref<1x128xi32, #tpu.memory_space<vmem>> -> memref<128xi32, #tpu.memory_space<vmem>>
          %dma_start3A_615 = arith.constant 0 : i32
          %dma_start3A_616 = arith.constant 0 : i32
          %dma_start3A_617 = tpu.memref_slice %arg3[%dma_start3A_615, %dma_start3A_616] : memref<1000000x32xf32, #tpu.memory_space<hbm>> -> memref<1000000x32xf32, #tpu.memory_space<hbm>>
          tpu.enqueue_indirect_dma source(%dma_start3A_617 : memref<1000000x32xf32, #tpu.memory_space<hbm>>) target(%dma_start3A_611 : memref<128x32xf32, #tpu.memory_space<vmem>>) offsets(%dma_start3A_614 : memref<128xi32, #tpu.memory_space<vmem>>) semaphore(%arg7 : memref<!tpu.dma_semaphore, #tpu.memory_space<semaphore_mem>>)
        } else {
        }
        %dma_wait3A_226 = arith.constant 0 : i32
        %dma_wait3A_227 = arith.constant 0 : i32
        %dma_wait3A_228 = arith.constant 0 : i32
        %dma_wait3A_229 = arith.constant 0 : i32
        %dma_wait3A_230 = arith.constant 0 : i32
        %dma_wait3A_231 = tpu.memref_slice %arg6[%scan3A_180, %dma_wait3A_228, %dma_wait3A_229, %dma_wait3A_230] : memref<2x10x128x32xf32, #tpu.memory_space<vmem>> -> memref<1x10x128x32xf32, #tpu.memory_space<vmem>>
        %dma_wait3A_232 = tpu.memref_squeeze %dma_wait3A_231 : memref<1x10x128x32xf32, #tpu.memory_space<vmem>> -> memref<10x128x32xf32, #tpu.memory_space<vmem>>
        %dma_wait3A_233 = arith.constant 0 : i32
        %dma_wait3A_234 = arith.constant 0 : i32
        %dma_wait3A_235 = tpu.memref_slice %dma_wait3A_232[%dma_wait3A_227, %dma_wait3A_233, %dma_wait3A_234] : memref<10x128x32xf32, #tpu.memory_space<vmem>> -> memref<1x128x32xf32, #tpu.memory_space<vmem>>
        %dma_wait3A_236 = tpu.memref_squeeze %dma_wait3A_235 : memref<1x128x32xf32, #tpu.memory_space<vmem>> -> memref<128x32xf32, #tpu.memory_space<vmem>>
        %dma_wait3A_237 = arith.constant 0 : i32
        %dma_wait3A_238 = tpu.memref_slice %arg5[%dma_wait3A_226, %dma_wait3A_237] : memref<200x128xi32, #tpu.memory_space<vmem>> -> memref<1x128xi32, #tpu.memory_space<vmem>>
        %dma_wait3A_239 = tpu.memref_squeeze %dma_wait3A_238 : memref<1x128xi32, #tpu.memory_space<vmem>> -> memref<128xi32, #tpu.memory_space<vmem>>
        %dma_wait3A_240 = arith.constant 0 : i32
        %dma_wait3A_241 = arith.constant 0 : i32
        %dma_wait3A_242 = tpu.memref_slice %arg3[%dma_wait3A_240, %dma_wait3A_241] : memref<1000000x32xf32, #tpu.memory_space<hbm>> -> memref<1000000x32xf32, #tpu.memory_space<hbm>>
        tpu.wait_indirect_dma semaphore(%arg8 : memref<!tpu.dma_semaphore, #tpu.memory_space<semaphore_mem>>) src(%dma_wait3A_242 : memref<1000000x32xf32, #tpu.memory_space<hbm>>) dst(%dma_wait3A_236 : memref<128x32xf32, #tpu.memory_space<vmem>>)
        %dma_wait3A_243 = arith.constant 1 : i32
        %dma_wait3A_244 = arith.constant 1 : i32
        %dma_wait3A_245 = arith.constant 0 : i32
        %dma_wait3A_246 = arith.constant 0 : i32
        %dma_wait3A_247 = arith.constant 0 : i32
        %dma_wait3A_248 = tpu.memref_slice %arg6[%scan3A_180, %dma_wait3A_245, %dma_wait3A_246, %dma_wait3A_247] : memref<2x10x128x32xf32, #tpu.memory_space<vmem>> -> memref<1x10x128x32xf32, #tpu.memory_space<vmem>>
        %dma_wait3A_249 = tpu.memref_squeeze %dma_wait3A_248 : memref<1x10x128x32xf32, #tpu.memory_space<vmem>> -> memref<10x128x32xf32, #tpu.memory_space<vmem>>
        %dma_wait3A_250 = arith.constant 0 : i32
        %dma_wait3A_251 = arith.constant 0 : i32
        %dma_wait3A_252 = tpu.memref_slice %dma_wait3A_249[%dma_wait3A_244, %dma_wait3A_250, %dma_wait3A_251] : memref<10x128x32xf32, #tpu.memory_space<vmem>> -> memref<1x128x32xf32, #tpu.memory_space<vmem>>
        %dma_wait3A_253 = tpu.memref_squeeze %dma_wait3A_252 : memref<1x128x32xf32, #tpu.memory_space<vmem>> -> memref<128x32xf32, #tpu.memory_space<vmem>>
        %dma_wait3A_254 = arith.constant 0 : i32
        %dma_wait3A_255 = tpu.memref_slice %arg5[%dma_wait3A_243, %dma_wait3A_254] : memref<200x128xi32, #tpu.memory_space<vmem>> -> memref<1x128xi32, #tpu.memory_space<vmem>>
        %dma_wait3A_256 = tpu.memref_squeeze %dma_wait3A_255 : memref<1x128xi32, #tpu.memory_space<vmem>> -> memref<128xi32, #tpu.memory_space<vmem>>
        %dma_wait3A_257 = arith.constant 0 : i32
        %dma_wait3A_258 = arith.constant 0 : i32
        %dma_wait3A_259 = tpu.memref_slice %arg3[%dma_wait3A_257, %dma_wait3A_258] : memref<1000000x32xf32, #tpu.memory_space<hbm>> -> memref<1000000x32xf32, #tpu.memory_space<hbm>>
        tpu.wait_indirect_dma semaphore(%arg8 : memref<!tpu.dma_semaphore, #tpu.memory_space<semaphore_mem>>) src(%dma_wait3A_259 : memref<1000000x32xf32, #tpu.memory_space<hbm>>) dst(%dma_wait3A_253 : memref<128x32xf32, #tpu.memory_space<vmem>>)
        %dma_wait3A_260 = arith.constant 2 : i32
        %dma_wait3A_261 = arith.constant 2 : i32
        %dma_wait3A_262 = arith.constant 0 : i32
        %dma_wait3A_263 = arith.constant 0 : i32
        %dma_wait3A_264 = arith.constant 0 : i32
        %dma_wait3A_265 = tpu.memref_slice %arg6[%scan3A_180, %dma_wait3A_262, %dma_wait3A_263, %dma_wait3A_264] : memref<2x10x128x32xf32, #tpu.memory_space<vmem>> -> memref<1x10x128x32xf32, #tpu.memory_space<vmem>>
        %dma_wait3A_266 = tpu.memref_squeeze %dma_wait3A_265 : memref<1x10x128x32xf32, #tpu.memory_space<vmem>> -> memref<10x128x32xf32, #tpu.memory_space<vmem>>
        %dma_wait3A_267 = arith.constant 0 : i32
        %dma_wait3A_268 = arith.constant 0 : i32
        %dma_wait3A_269 = tpu.memref_slice %dma_wait3A_266[%dma_wait3A_261, %dma_wait3A_267, %dma_wait3A_268] : memref<10x128x32xf32, #tpu.memory_space<vmem>> -> memref<1x128x32xf32, #tpu.memory_space<vmem>>
        %dma_wait3A_270 = tpu.memref_squeeze %dma_wait3A_269 : memref<1x128x32xf32, #tpu.memory_space<vmem>> -> memref<128x32xf32, #tpu.memory_space<vmem>>
        %dma_wait3A_271 = arith.constant 0 : i32
        %dma_wait3A_272 = tpu.memref_slice %arg5[%dma_wait3A_260, %dma_wait3A_271] : memref<200x128xi32, #tpu.memory_space<vmem>> -> memref<1x128xi32, #tpu.memory_space<vmem>>
        %dma_wait3A_273 = tpu.memref_squeeze %dma_wait3A_272 : memref<1x128xi32, #tpu.memory_space<vmem>> -> memref<128xi32, #tpu.memory_space<vmem>>
        %dma_wait3A_274 = arith.constant 0 : i32
        %dma_wait3A_275 = arith.constant 0 : i32
        %dma_wait3A_276 = tpu.memref_slice %arg3[%dma_wait3A_274, %dma_wait3A_275] : memref<1000000x32xf32, #tpu.memory_space<hbm>> -> memref<1000000x32xf32, #tpu.memory_space<hbm>>
        tpu.wait_indirect_dma semaphore(%arg8 : memref<!tpu.dma_semaphore, #tpu.memory_space<semaphore_mem>>) src(%dma_wait3A_276 : memref<1000000x32xf32, #tpu.memory_space<hbm>>) dst(%dma_wait3A_270 : memref<128x32xf32, #tpu.memory_space<vmem>>)
        %dma_wait3A_277 = arith.constant 3 : i32
        %dma_wait3A_278 = arith.constant 3 : i32
        %dma_wait3A_279 = arith.constant 0 : i32
        %dma_wait3A_280 = arith.constant 0 : i32
        %dma_wait3A_281 = arith.constant 0 : i32
        %dma_wait3A_282 = tpu.memref_slice %arg6[%scan3A_180, %dma_wait3A_279, %dma_wait3A_280, %dma_wait3A_281] : memref<2x10x128x32xf32, #tpu.memory_space<vmem>> -> memref<1x10x128x32xf32, #tpu.memory_space<vmem>>
        %dma_wait3A_283 = tpu.memref_squeeze %dma_wait3A_282 : memref<1x10x128x32xf32, #tpu.memory_space<vmem>> -> memref<10x128x32xf32, #tpu.memory_space<vmem>>
        %dma_wait3A_284 = arith.constant 0 : i32
        %dma_wait3A_285 = arith.constant 0 : i32
        %dma_wait3A_286 = tpu.memref_slice %dma_wait3A_283[%dma_wait3A_278, %dma_wait3A_284, %dma_wait3A_285] : memref<10x128x32xf32, #tpu.memory_space<vmem>> -> memref<1x128x32xf32, #tpu.memory_space<vmem>>
        %dma_wait3A_287 = tpu.memref_squeeze %dma_wait3A_286 : memref<1x128x32xf32, #tpu.memory_space<vmem>> -> memref<128x32xf32, #tpu.memory_space<vmem>>
        %dma_wait3A_288 = arith.constant 0 : i32
        %dma_wait3A_289 = tpu.memref_slice %arg5[%dma_wait3A_277, %dma_wait3A_288] : memref<200x128xi32, #tpu.memory_space<vmem>> -> memref<1x128xi32, #tpu.memory_space<vmem>>
        %dma_wait3A_290 = tpu.memref_squeeze %dma_wait3A_289 : memref<1x128xi32, #tpu.memory_space<vmem>> -> memref<128xi32, #tpu.memory_space<vmem>>
        %dma_wait3A_291 = arith.constant 0 : i32
        %dma_wait3A_292 = arith.constant 0 : i32
        %dma_wait3A_293 = tpu.memref_slice %arg3[%dma_wait3A_291, %dma_wait3A_292] : memref<1000000x32xf32, #tpu.memory_space<hbm>> -> memref<1000000x32xf32, #tpu.memory_space<hbm>>
        tpu.wait_indirect_dma semaphore(%arg8 : memref<!tpu.dma_semaphore, #tpu.memory_space<semaphore_mem>>) src(%dma_wait3A_293 : memref<1000000x32xf32, #tpu.memory_space<hbm>>) dst(%dma_wait3A_287 : memref<128x32xf32, #tpu.memory_space<vmem>>)
        %dma_wait3A_294 = arith.constant 4 : i32
        %dma_wait3A_295 = arith.constant 4 : i32
        %dma_wait3A_296 = arith.constant 0 : i32
        %dma_wait3A_297 = arith.constant 0 : i32
        %dma_wait3A_298 = arith.constant 0 : i32
        %dma_wait3A_299 = tpu.memref_slice %arg6[%scan3A_180, %dma_wait3A_296, %dma_wait3A_297, %dma_wait3A_298] : memref<2x10x128x32xf32, #tpu.memory_space<vmem>> -> memref<1x10x128x32xf32, #tpu.memory_space<vmem>>
        %dma_wait3A_300 = tpu.memref_squeeze %dma_wait3A_299 : memref<1x10x128x32xf32, #tpu.memory_space<vmem>> -> memref<10x128x32xf32, #tpu.memory_space<vmem>>
        %dma_wait3A_301 = arith.constant 0 : i32
        %dma_wait3A_302 = arith.constant 0 : i32
        %dma_wait3A_303 = tpu.memref_slice %dma_wait3A_300[%dma_wait3A_295, %dma_wait3A_301, %dma_wait3A_302] : memref<10x128x32xf32, #tpu.memory_space<vmem>> -> memref<1x128x32xf32, #tpu.memory_space<vmem>>
        %dma_wait3A_304 = tpu.memref_squeeze %dma_wait3A_303 : memref<1x128x32xf32, #tpu.memory_space<vmem>> -> memref<128x32xf32, #tpu.memory_space<vmem>>
        %dma_wait3A_305 = arith.constant 0 : i32
        %dma_wait3A_306 = tpu.memref_slice %arg5[%dma_wait3A_294, %dma_wait3A_305] : memref<200x128xi32, #tpu.memory_space<vmem>> -> memref<1x128xi32, #tpu.memory_space<vmem>>
        %dma_wait3A_307 = tpu.memref_squeeze %dma_wait3A_306 : memref<1x128xi32, #tpu.memory_space<vmem>> -> memref<128xi32, #tpu.memory_space<vmem>>
        %dma_wait3A_308 = arith.constant 0 : i32
        %dma_wait3A_309 = arith.constant 0 : i32
        %dma_wait3A_310 = tpu.memref_slice %arg3[%dma_wait3A_308, %dma_wait3A_309] : memref<1000000x32xf32, #tpu.memory_space<hbm>> -> memref<1000000x32xf32, #tpu.memory_space<hbm>>
        tpu.wait_indirect_dma semaphore(%arg8 : memref<!tpu.dma_semaphore, #tpu.memory_space<semaphore_mem>>) src(%dma_wait3A_310 : memref<1000000x32xf32, #tpu.memory_space<hbm>>) dst(%dma_wait3A_304 : memref<128x32xf32, #tpu.memory_space<vmem>>)
        %dma_wait3A_311 = arith.constant 5 : i32
        %dma_wait3A_312 = arith.constant 5 : i32
        %dma_wait3A_313 = arith.constant 0 : i32
        %dma_wait3A_314 = arith.constant 0 : i32
        %dma_wait3A_315 = arith.constant 0 : i32
        %dma_wait3A_316 = tpu.memref_slice %arg6[%scan3A_180, %dma_wait3A_313, %dma_wait3A_314, %dma_wait3A_315] : memref<2x10x128x32xf32, #tpu.memory_space<vmem>> -> memref<1x10x128x32xf32, #tpu.memory_space<vmem>>
        %dma_wait3A_317 = tpu.memref_squeeze %dma_wait3A_316 : memref<1x10x128x32xf32, #tpu.memory_space<vmem>> -> memref<10x128x32xf32, #tpu.memory_space<vmem>>
        %dma_wait3A_318 = arith.constant 0 : i32
        %dma_wait3A_319 = arith.constant 0 : i32
        %dma_wait3A_320 = tpu.memref_slice %dma_wait3A_317[%dma_wait3A_312, %dma_wait3A_318, %dma_wait3A_319] : memref<10x128x32xf32, #tpu.memory_space<vmem>> -> memref<1x128x32xf32, #tpu.memory_space<vmem>>
        %dma_wait3A_321 = tpu.memref_squeeze %dma_wait3A_320 : memref<1x128x32xf32, #tpu.memory_space<vmem>> -> memref<128x32xf32, #tpu.memory_space<vmem>>
        %dma_wait3A_322 = arith.constant 0 : i32
        %dma_wait3A_323 = tpu.memref_slice %arg5[%dma_wait3A_311, %dma_wait3A_322] : memref<200x128xi32, #tpu.memory_space<vmem>> -> memref<1x128xi32, #tpu.memory_space<vmem>>
        %dma_wait3A_324 = tpu.memref_squeeze %dma_wait3A_323 : memref<1x128xi32, #tpu.memory_space<vmem>> -> memref<128xi32, #tpu.memory_space<vmem>>
        %dma_wait3A_325 = arith.constant 0 : i32
        %dma_wait3A_326 = arith.constant 0 : i32
        %dma_wait3A_327 = tpu.memref_slice %arg3[%dma_wait3A_325, %dma_wait3A_326] : memref<1000000x32xf32, #tpu.memory_space<hbm>> -> memref<1000000x32xf32, #tpu.memory_space<hbm>>
        tpu.wait_indirect_dma semaphore(%arg8 : memref<!tpu.dma_semaphore, #tpu.memory_space<semaphore_mem>>) src(%dma_wait3A_327 : memref<1000000x32xf32, #tpu.memory_space<hbm>>) dst(%dma_wait3A_321 : memref<128x32xf32, #tpu.memory_space<vmem>>)
        %dma_wait3A_328 = arith.constant 6 : i32
        %dma_wait3A_329 = arith.constant 6 : i32
        %dma_wait3A_330 = arith.constant 0 : i32
        %dma_wait3A_331 = arith.constant 0 : i32
        %dma_wait3A_332 = arith.constant 0 : i32
        %dma_wait3A_333 = tpu.memref_slice %arg6[%scan3A_180, %dma_wait3A_330, %dma_wait3A_331, %dma_wait3A_332] : memref<2x10x128x32xf32, #tpu.memory_space<vmem>> -> memref<1x10x128x32xf32, #tpu.memory_space<vmem>>
        %dma_wait3A_334 = tpu.memref_squeeze %dma_wait3A_333 : memref<1x10x128x32xf32, #tpu.memory_space<vmem>> -> memref<10x128x32xf32, #tpu.memory_space<vmem>>
        %dma_wait3A_335 = arith.constant 0 : i32
        %dma_wait3A_336 = arith.constant 0 : i32
        %dma_wait3A_337 = tpu.memref_slice %dma_wait3A_334[%dma_wait3A_329, %dma_wait3A_335, %dma_wait3A_336] : memref<10x128x32xf32, #tpu.memory_space<vmem>> -> memref<1x128x32xf32, #tpu.memory_space<vmem>>
        %dma_wait3A_338 = tpu.memref_squeeze %dma_wait3A_337 : memref<1x128x32xf32, #tpu.memory_space<vmem>> -> memref<128x32xf32, #tpu.memory_space<vmem>>
        %dma_wait3A_339 = arith.constant 0 : i32
        %dma_wait3A_340 = tpu.memref_slice %arg5[%dma_wait3A_328, %dma_wait3A_339] : memref<200x128xi32, #tpu.memory_space<vmem>> -> memref<1x128xi32, #tpu.memory_space<vmem>>
        %dma_wait3A_341 = tpu.memref_squeeze %dma_wait3A_340 : memref<1x128xi32, #tpu.memory_space<vmem>> -> memref<128xi32, #tpu.memory_space<vmem>>
        %dma_wait3A_342 = arith.constant 0 : i32
        %dma_wait3A_343 = arith.constant 0 : i32
        %dma_wait3A_344 = tpu.memref_slice %arg3[%dma_wait3A_342, %dma_wait3A_343] : memref<1000000x32xf32, #tpu.memory_space<hbm>> -> memref<1000000x32xf32, #tpu.memory_space<hbm>>
        tpu.wait_indirect_dma semaphore(%arg8 : memref<!tpu.dma_semaphore, #tpu.memory_space<semaphore_mem>>) src(%dma_wait3A_344 : memref<1000000x32xf32, #tpu.memory_space<hbm>>) dst(%dma_wait3A_338 : memref<128x32xf32, #tpu.memory_space<vmem>>)
        %dma_wait3A_345 = arith.constant 7 : i32
        %dma_wait3A_346 = arith.constant 7 : i32
        %dma_wait3A_347 = arith.constant 0 : i32
        %dma_wait3A_348 = arith.constant 0 : i32
        %dma_wait3A_349 = arith.constant 0 : i32
        %dma_wait3A_350 = tpu.memref_slice %arg6[%scan3A_180, %dma_wait3A_347, %dma_wait3A_348, %dma_wait3A_349] : memref<2x10x128x32xf32, #tpu.memory_space<vmem>> -> memref<1x10x128x32xf32, #tpu.memory_space<vmem>>
        %dma_wait3A_351 = tpu.memref_squeeze %dma_wait3A_350 : memref<1x10x128x32xf32, #tpu.memory_space<vmem>> -> memref<10x128x32xf32, #tpu.memory_space<vmem>>
        %dma_wait3A_352 = arith.constant 0 : i32
        %dma_wait3A_353 = arith.constant 0 : i32
        %dma_wait3A_354 = tpu.memref_slice %dma_wait3A_351[%dma_wait3A_346, %dma_wait3A_352, %dma_wait3A_353] : memref<10x128x32xf32, #tpu.memory_space<vmem>> -> memref<1x128x32xf32, #tpu.memory_space<vmem>>
        %dma_wait3A_355 = tpu.memref_squeeze %dma_wait3A_354 : memref<1x128x32xf32, #tpu.memory_space<vmem>> -> memref<128x32xf32, #tpu.memory_space<vmem>>
        %dma_wait3A_356 = arith.constant 0 : i32
        %dma_wait3A_357 = tpu.memref_slice %arg5[%dma_wait3A_345, %dma_wait3A_356] : memref<200x128xi32, #tpu.memory_space<vmem>> -> memref<1x128xi32, #tpu.memory_space<vmem>>
        %dma_wait3A_358 = tpu.memref_squeeze %dma_wait3A_357 : memref<1x128xi32, #tpu.memory_space<vmem>> -> memref<128xi32, #tpu.memory_space<vmem>>
        %dma_wait3A_359 = arith.constant 0 : i32
        %dma_wait3A_360 = arith.constant 0 : i32
        %dma_wait3A_361 = tpu.memref_slice %arg3[%dma_wait3A_359, %dma_wait3A_360] : memref<1000000x32xf32, #tpu.memory_space<hbm>> -> memref<1000000x32xf32, #tpu.memory_space<hbm>>
        tpu.wait_indirect_dma semaphore(%arg8 : memref<!tpu.dma_semaphore, #tpu.memory_space<semaphore_mem>>) src(%dma_wait3A_361 : memref<1000000x32xf32, #tpu.memory_space<hbm>>) dst(%dma_wait3A_355 : memref<128x32xf32, #tpu.memory_space<vmem>>)
        %dma_wait3A_362 = arith.constant 8 : i32
        %dma_wait3A_363 = arith.constant 8 : i32
        %dma_wait3A_364 = arith.constant 0 : i32
        %dma_wait3A_365 = arith.constant 0 : i32
        %dma_wait3A_366 = arith.constant 0 : i32
        %dma_wait3A_367 = tpu.memref_slice %arg6[%scan3A_180, %dma_wait3A_364, %dma_wait3A_365, %dma_wait3A_366] : memref<2x10x128x32xf32, #tpu.memory_space<vmem>> -> memref<1x10x128x32xf32, #tpu.memory_space<vmem>>
        %dma_wait3A_368 = tpu.memref_squeeze %dma_wait3A_367 : memref<1x10x128x32xf32, #tpu.memory_space<vmem>> -> memref<10x128x32xf32, #tpu.memory_space<vmem>>
        %dma_wait3A_369 = arith.constant 0 : i32
        %dma_wait3A_370 = arith.constant 0 : i32
        %dma_wait3A_371 = tpu.memref_slice %dma_wait3A_368[%dma_wait3A_363, %dma_wait3A_369, %dma_wait3A_370] : memref<10x128x32xf32, #tpu.memory_space<vmem>> -> memref<1x128x32xf32, #tpu.memory_space<vmem>>
        %dma_wait3A_372 = tpu.memref_squeeze %dma_wait3A_371 : memref<1x128x32xf32, #tpu.memory_space<vmem>> -> memref<128x32xf32, #tpu.memory_space<vmem>>
        %dma_wait3A_373 = arith.constant 0 : i32
        %dma_wait3A_374 = tpu.memref_slice %arg5[%dma_wait3A_362, %dma_wait3A_373] : memref<200x128xi32, #tpu.memory_space<vmem>> -> memref<1x128xi32, #tpu.memory_space<vmem>>
        %dma_wait3A_375 = tpu.memref_squeeze %dma_wait3A_374 : memref<1x128xi32, #tpu.memory_space<vmem>> -> memref<128xi32, #tpu.memory_space<vmem>>
        %dma_wait3A_376 = arith.constant 0 : i32
        %dma_wait3A_377 = arith.constant 0 : i32
        %dma_wait3A_378 = tpu.memref_slice %arg3[%dma_wait3A_376, %dma_wait3A_377] : memref<1000000x32xf32, #tpu.memory_space<hbm>> -> memref<1000000x32xf32, #tpu.memory_space<hbm>>
        tpu.wait_indirect_dma semaphore(%arg8 : memref<!tpu.dma_semaphore, #tpu.memory_space<semaphore_mem>>) src(%dma_wait3A_378 : memref<1000000x32xf32, #tpu.memory_space<hbm>>) dst(%dma_wait3A_372 : memref<128x32xf32, #tpu.memory_space<vmem>>)
        %dma_wait3A_379 = arith.constant 9 : i32
        %dma_wait3A_380 = arith.constant 9 : i32
        %dma_wait3A_381 = arith.constant 0 : i32
        %dma_wait3A_382 = arith.constant 0 : i32
        %dma_wait3A_383 = arith.constant 0 : i32
        %dma_wait3A_384 = tpu.memref_slice %arg6[%scan3A_180, %dma_wait3A_381, %dma_wait3A_382, %dma_wait3A_383] : memref<2x10x128x32xf32, #tpu.memory_space<vmem>> -> memref<1x10x128x32xf32, #tpu.memory_space<vmem>>
        %dma_wait3A_385 = tpu.memref_squeeze %dma_wait3A_384 : memref<1x10x128x32xf32, #tpu.memory_space<vmem>> -> memref<10x128x32xf32, #tpu.memory_space<vmem>>
        %dma_wait3A_386 = arith.constant 0 : i32
        %dma_wait3A_387 = arith.constant 0 : i32
        %dma_wait3A_388 = tpu.memref_slice %dma_wait3A_385[%dma_wait3A_380, %dma_wait3A_386, %dma_wait3A_387] : memref<10x128x32xf32, #tpu.memory_space<vmem>> -> memref<1x128x32xf32, #tpu.memory_space<vmem>>
        %dma_wait3A_389 = tpu.memref_squeeze %dma_wait3A_388 : memref<1x128x32xf32, #tpu.memory_space<vmem>> -> memref<128x32xf32, #tpu.memory_space<vmem>>
        %dma_wait3A_390 = arith.constant 0 : i32
        %dma_wait3A_391 = tpu.memref_slice %arg5[%dma_wait3A_379, %dma_wait3A_390] : memref<200x128xi32, #tpu.memory_space<vmem>> -> memref<1x128xi32, #tpu.memory_space<vmem>>
        %dma_wait3A_392 = tpu.memref_squeeze %dma_wait3A_391 : memref<1x128xi32, #tpu.memory_space<vmem>> -> memref<128xi32, #tpu.memory_space<vmem>>
        %dma_wait3A_393 = arith.constant 0 : i32
        %dma_wait3A_394 = arith.constant 0 : i32
        %dma_wait3A_395 = tpu.memref_slice %arg3[%dma_wait3A_393, %dma_wait3A_394] : memref<1000000x32xf32, #tpu.memory_space<hbm>> -> memref<1000000x32xf32, #tpu.memory_space<hbm>>
        tpu.wait_indirect_dma semaphore(%arg8 : memref<!tpu.dma_semaphore, #tpu.memory_space<semaphore_mem>>) src(%dma_wait3A_395 : memref<1000000x32xf32, #tpu.memory_space<hbm>>) dst(%dma_wait3A_389 : memref<128x32xf32, #tpu.memory_space<vmem>>)
        %dma_start3A_396 = arith.constant 0 : i32
        %dma_start3A_397 = arith.constant 0 : i32
        %dma_start3A_398 = arith.constant 0 : i32
        %dma_start3A_399 = tpu.memref_slice %arg6[%scan3A_180, %dma_start3A_396, %dma_start3A_397, %dma_start3A_398] : memref<2x10x128x32xf32, #tpu.memory_space<vmem>> -> memref<1x10x128x32xf32, #tpu.memory_space<vmem>>
        %dma_start3A_400 = tpu.memref_squeeze %dma_start3A_399 : memref<1x10x128x32xf32, #tpu.memory_space<vmem>> -> memref<10x128x32xf32, #tpu.memory_space<vmem>>
        %dma_start3A_401 = arith.constant 0 : i32
        %dma_start3A_402 = arith.constant 0 : i32
        %dma_start3A_403 = arith.constant 0 : i32
        %dma_start3A_404 = tpu.memref_slice %arg4[%add3A, %scan3A_208, %dma_start3A_401, %dma_start3A_402, %dma_start3A_403] : memref<32x20x10x128x32xf32, #tpu.memory_space<hbm>> -> memref<1x1x10x128x32xf32, #tpu.memory_space<hbm>>
        %dma_start3A_405 = tpu.memref_squeeze %dma_start3A_404 : memref<1x1x10x128x32xf32, #tpu.memory_space<hbm>> -> memref<10x128x32xf32, #tpu.memory_space<hbm>>
        %dma_start3A_406 = arith.constant 0 : i32
        %dma_start3A_407 = arith.constant 0 : i32
        %dma_start3A_408 = arith.constant 0 : i32
        %dma_start3A_409 = tpu.memref_slice %arg4[%add3A, %scan3A_208, %dma_start3A_406, %dma_start3A_407, %dma_start3A_408] : memref<32x20x10x128x32xf32, #tpu.memory_space<hbm>> -> memref<1x1x10x128x32xf32, #tpu.memory_space<hbm>>
        %dma_start3A_410 = tpu.memref_squeeze %dma_start3A_409 : memref<1x1x10x128x32xf32, #tpu.memory_space<hbm>> -> memref<10x128x32xf32, #tpu.memory_space<hbm>>
        %dma_start3A_411 = arith.constant 0 : i32
        %dma_start3A_412 = arith.constant 0 : i32
        %dma_start3A_413 = arith.constant 0 : i32
        %dma_start3A_414 = tpu.memref_slice %arg6[%scan3A_180, %dma_start3A_411, %dma_start3A_412, %dma_start3A_413] : memref<2x10x128x32xf32, #tpu.memory_space<vmem>> -> memref<1x10x128x32xf32, #tpu.memory_space<vmem>>
        %dma_start3A_415 = tpu.memref_squeeze %dma_start3A_414 : memref<1x10x128x32xf32, #tpu.memory_space<vmem>> -> memref<10x128x32xf32, #tpu.memory_space<vmem>>
        tpu.enqueue_dma source(%dma_start3A_415 : memref<10x128x32xf32, #tpu.memory_space<vmem>>) target(%dma_start3A_410 : memref<10x128x32xf32, #tpu.memory_space<hbm>>) target_semaphore(%arg10 : memref<!tpu.dma_semaphore, #tpu.memory_space<semaphore_mem>>)
      } else {
      }
    }
    %scan3A_186 = arith.constant 20 : i32
    %dma_wait3A = arith.constant 1 : i32
    %dma_wait3A_187 = arith.constant 0 : i32
    %dma_wait3A_188 = arith.constant 0 : i32
    %dma_wait3A_189 = arith.constant 0 : i32
    %dma_wait3A_190 = arith.constant 0 : i32
    %dma_wait3A_191 = tpu.memref_slice %arg6[%dma_wait3A, %dma_wait3A_188, %dma_wait3A_189, %dma_wait3A_190] : memref<2x10x128x32xf32, #tpu.memory_space<vmem>> -> memref<1x10x128x32xf32, #tpu.memory_space<vmem>>
    %dma_wait3A_192 = tpu.memref_squeeze %dma_wait3A_191 : memref<1x10x128x32xf32, #tpu.memory_space<vmem>> -> memref<10x128x32xf32, #tpu.memory_space<vmem>>
    %dma_wait3A_193 = arith.constant 0 : i32
    %dma_wait3A_194 = arith.constant 0 : i32
    %dma_wait3A_195 = arith.constant 0 : i32
    %dma_wait3A_196 = tpu.memref_slice %arg4[%add3A, %dma_wait3A_187, %dma_wait3A_193, %dma_wait3A_194, %dma_wait3A_195] : memref<32x20x10x128x32xf32, #tpu.memory_space<hbm>> -> memref<1x1x10x128x32xf32, #tpu.memory_space<hbm>>
    %dma_wait3A_197 = tpu.memref_squeeze %dma_wait3A_196 : memref<1x1x10x128x32xf32, #tpu.memory_space<hbm>> -> memref<10x128x32xf32, #tpu.memory_space<hbm>>
    %dma_wait3A_198 = arith.constant 0 : i32
    %dma_wait3A_199 = arith.constant 0 : i32
    %dma_wait3A_200 = arith.constant 0 : i32
    %dma_wait3A_201 = tpu.memref_slice %arg4[%add3A, %dma_wait3A_187, %dma_wait3A_198, %dma_wait3A_199, %dma_wait3A_200] : memref<32x20x10x128x32xf32, #tpu.memory_space<hbm>> -> memref<1x1x10x128x32xf32, #tpu.memory_space<hbm>>
    %dma_wait3A_202 = tpu.memref_squeeze %dma_wait3A_201 : memref<1x1x10x128x32xf32, #tpu.memory_space<hbm>> -> memref<10x128x32xf32, #tpu.memory_space<hbm>>
    %dma_wait3A_203 = arith.constant 0 : i32
    %dma_wait3A_204 = arith.constant 0 : i32
    %dma_wait3A_205 = arith.constant 0 : i32
    %dma_wait3A_206 = tpu.memref_slice %arg6[%dma_wait3A, %dma_wait3A_203, %dma_wait3A_204, %dma_wait3A_205] : memref<2x10x128x32xf32, #tpu.memory_space<vmem>> -> memref<1x10x128x32xf32, #tpu.memory_space<vmem>>
    %dma_wait3A_207 = tpu.memref_squeeze %dma_wait3A_206 : memref<1x10x128x32xf32, #tpu.memory_space<vmem>> -> memref<10x128x32xf32, #tpu.memory_space<vmem>>
    tpu.wait_dma2 semaphore(%arg10 : memref<!tpu.dma_semaphore, #tpu.memory_space<semaphore_mem>>) src(%dma_wait3A_207 : memref<10x128x32xf32, #tpu.memory_space<vmem>>) dst(%dma_wait3A_202 : memref<10x128x32xf32, #tpu.memory_space<hbm>>)
    return
  }
}

</mosaic_0001>

<sc_bundles>
// kernel: _gather.3.cloned.1.call-start
scs
__scs_entry_jumppad:
0x0: {  	(pc) =	sbr.rel $0x88, $3  }
0x1: {  	(tag) =	ssettag $0x0;
	lr =	simm.s32 $0x1  }
0x2: {  	[smem:$0x3F9F] =	sst lr;
	_ =	strace $0xD0000000  }
0x3: {  	_ = 	snop  }
0x4: {  	_ = 	snop  }
0x5: {  	_ = 	snop  }
0x6: {  	_ = 	snop  }
0x7: {  	_ = 	snop  }
__scs_overlays_trampoline_lowered:
0x8: {  	[smem:$0x3FAE] =	sst s0  }
0x9: {  	[smem:$0x3FAF] =	sst s1  }
0xa: {  	[smem:$0x3FB0] =	sst s2  }
0xb: {  	[smem:$0x3FB1] =	sst s3  }
0xc: {  	[smem:$0x3FB2] =	sst s4  }
0xd: {  	[smem:$0x3FB3] =	sst s5  }
0xe: {  	[smem:$0x3FB4] =	sst s6  }
0xf: {  	[smem:$0x3FB5] =	sst s7  }
0x10: {  	[smem:$0x3FB6] =	sst s8  }
0x11: {  	[smem:$0x3FB7] =	sst s9;
	s0 =	simm.s32 @!p0 $0x0  }
0x12: {  	s1 =	sld [smem:$0x3F9D];
	s0 =	simm.s32 @p0 $0x1  }
0x13: {  	[smem:$0x3FB8] =	sst s0;
	s0 =	simm.s32 @!p1 $0x0  }
0x14: {  	s2 =	sld [smem:$0x3F9C];
	s0 =	simm.s32 @p1 $0x1  }
0x15: {  	[smem:$0x3FB9] =	sst s0;
	s0 =	simm.s32 @!p2 $0x0  }
0x16: {  	s3 =	sld [smem:$0x3FDB];
	s0 =	simm.s32 @p2 $0x1  }
0x17: {  	s4 =	simm.s32 $0x1BF5;
	[smem:$0x3FBB] =	sst s0  }
0x18: {  	s0 =	sld [smem:$0x3F9E];
	_ =	swait.ge [sflag:s4], $0x0  }
0x19: {  	s7 =	sld [smem:$0x3F9F]  }
0x1a: {  	s8 =	sadd.s32 $0xFFFFE003, lr  }
0x1b: {  	s9 =	sadd.s32 $0xFFFFFEF7, lr;
	s5 =	simm.s32 $0xFFFFFFFF;
	p2 =	slt.u32 s8, $0xFFFFF086  }
0x1c: {  	p1 =	slt.u32 s9, $0xF7A;
	s5 =	simm.s32 @!p2 $0x0  }
0x1d: {  	s5 =	simm.s32 @p1 $0x1;
	p0 =	seq.s32 s7, s2  }
0x1e: {  	s7 =	smul.u32 @!p0 $0xF7A, s2;
	p2 =	seq.s32 @!p0 s5, $0x0  }
0x1f: {  	s9 =	smul.u32 $0xF7A, s1;
	s8 =	simm.s32 @!p0 $0x1BF5;
	p2 =	por !p2, p0  }
0x20: {  	[sflag:s8] =	ssyncset.s32 @!p0 $0xFFFFF086;
	s6 =	sadd.s32 @!p0 s3, s7;
	s7 =	simm.s32 @!p0 $0x108  }
0x21: {  	s3 =	sadd.s32 s3, s9;
	s6 =	sadd.s32 @!p0 $0x88, s6;
	s7 =	simm.s32 @p2 $0x1082  }
0x22: {  	[simem:s7], [sflag:s8] =	dma.local @!p0 [hbm:s6], $0xF7A  }
0x23: {  	s9 =	sor.u32 $0xD0000000, s2;
	s6 =	simm.s32 $0x108;
	_ =	swait.ge @!p0 [sflag:s8], $0x0  }
0x24: {  	s3 =	sadd.s32 $0x88, s3;
	s6 =	simm.s32 @!p1 $0x1082;
	[sflag:s4] =	ssyncset.s32 $0xFFFFF086  }
0x25: {  	[simem:s6], [sflag:s4] =	dma.local [hbm:s3], $0xF7A  }
0x26: {  	[smem:$0x3F9F] =	sst s1;
	(tag) =	ssettag s2;
	_ =	strace s9  }
0x27: {  	s1 =	sld [smem:$0x3FAF]  }
0x28: {  	s2 =	sld [smem:$0x3FB0]  }
0x29: {  	s4 =	sld [smem:$0x3FB2]  }
0x2a: {  	p0 =	seq.s32 s5, $0x0;
	s5 =	sld [smem:$0x3FB3]  }
0x2b: {  	s6 =	sld [smem:$0x3FB4]  }
0x2c: {  	s7 =	sld [smem:$0x3FB5]  }
0x2d: {  	s3 =	simm.s32 $0x108;
	s8 =	sld [smem:$0x3FB6]  }
0x2e: {  	s3 =	simm.s32 @!p0 $0x1082;
	s9 =	sld [smem:$0x3FB7]  }
0x2f: {  	lr =	sadd.s32 s0, s3;
	s0 =	sld [smem:$0x3FAE]  }
0x30: {  	s3 =	sld [smem:$0x3FB1]  }
0x31: {  	[smem:$0x3FBA] =	sst s10  }
0x32: {  	s10 =	sld [smem:$0x3FB8];
	_ =	sdelay $0x3  }
0x33: {  	p0 =	seq.s32 s10, $0x1;
	s10 =	sld [smem:$0x3FBA];
	_ =	sdelay $0x3  }
0x34: {  	[smem:$0x3FBA] =	sst s10  }
0x35: {  	s10 =	sld [smem:$0x3FB9];
	_ =	sdelay $0x3  }
0x36: {  	p1 =	seq.s32 s10, $0x1;
	s10 =	sld [smem:$0x3FBA];
	_ =	sdelay $0x3  }
0x37: {  	[smem:$0x3FBA] =	sst s10  }
0x38: {  	s10 =	sld [smem:$0x3FBB]  }
0x39: {  	_ = 	snop;
	(pc) =	sbr.ind lr, $3  }
0x3a: {  	_ = 	snop  }
0x3b: {  	_ = 	snop  }
0x3c: {  	p2 =	seq.s32 s10, $0x1;
	s10 =	sld [smem:$0x3FBA]  }
0x3d: {  	_ =	shalt  }
0x3e: {  	_ =	shalt  }
0x3f: {  	_ =	shalt  }
0x40: {  	_ =	shalt  }
0x41: {  	_ =	shalt  }
0x42: {  	_ =	shalt  }
0x43: {  	_ =	shalt  }
0x44: {  	_ =	shalt  }
0x45: {  	_ =	shalt  }
0x46: {  	_ =	shalt  }
0x47: {  	_ =	shalt  }
0x48: {  	_ =	shalt  }
0x49: {  	_ =	shalt  }
0x4a: {  	_ =	shalt  }
0x4b: {  	_ =	shalt  }
0x4c: {  	_ =	shalt  }
0x4d: {  	_ =	shalt  }
0x4e: {  	_ =	shalt  }
0x4f: {  	_ =	shalt  }
0x50: {  	_ =	shalt  }
0x51: {  	_ =	shalt  }
0x52: {  	_ =	shalt  }
0x53: {  	_ =	shalt  }
0x54: {  	_ =	shalt  }
0x55: {  	_ =	shalt  }
0x56: {  	_ =	shalt  }
0x57: {  	_ =	shalt  }
0x58: {  	_ =	shalt  }
0x59: {  	_ =	shalt  }
0x5a: {  	_ =	shalt  }
0x5b: {  	_ =	shalt  }
0x5c: {  	_ =	shalt  }
0x5d: {  	_ =	shalt  }
0x5e: {  	_ =	shalt  }
0x5f: {  	_ =	shalt  }
0x60: {  	_ =	shalt  }
0x61: {  	_ =	shalt  }
0x62: {  	_ =	shalt  }
0x63: {  	_ =	shalt  }
0x64: {  	_ =	shalt  }
0x65: {  	_ =	shalt  }
0x66: {  	_ =	shalt  }
0x67: {  	_ =	shalt  }
0x68: {  	_ =	shalt  }
0x69: {  	_ =	shalt  }
0x6a: {  	_ =	shalt  }
0x6b: {  	_ =	shalt  }
0x6c: {  	_ =	shalt  }
0x6d: {  	_ =	shalt  }
0x6e: {  	_ =	shalt  }
0x6f: {  	_ =	shalt  }
0x70: {  	_ =	shalt  }
0x71: {  	_ =	shalt  }
0x72: {  	_ =	shalt  }
0x73: {  	_ =	shalt  }
0x74: {  	_ =	shalt  }
0x75: {  	_ =	shalt  }
0x76: {  	_ =	shalt  }
0x77: {  	_ =	shalt  }
0x78: {  	_ =	shalt  }
0x79: {  	_ =	shalt  }
0x7a: {  	_ =	shalt  }
0x7b: {  	_ =	shalt  }
0x7c: {  	_ =	shalt  }
0x7d: {  	_ =	shalt  }
0x7e: {  	_ =	shalt  }
0x7f: {  	_ =	shalt  }
0x80: {  	_ =	shalt  }
0x81: {  	_ =	shalt  }
0x82: {  	_ =	shalt  }
0x83: {  	_ =	shalt  }
0x84: {  	_ =	shalt  }
0x85: {  	_ =	shalt  }
0x86: {  	_ =	shalt  }
0x87: {  	_ =	shalt  }
.Lfunc_end0:
.L_simem_size_0:
called_computation.1_lowered:
.L_overlay_start_0:
0x88: {  	s2 =	sld [smem:$0x3FD9]  }
0x89: {  	s3 =	sld [smem:$0x3FFE];
	_ =	sdelay $0x1  }
0x8a: {  	s1 =	srdreg.scid  }
0x8b: {  	s0 =	sand.u32 $0x1, s1  }
0x8c: {  	s17 =	sshll.u32 s0, $0xA;
	s2 =	sadd.s32 s3, s2  }
0x8d: {  	s2 =	sadd.s32 s2, s17  }
0x8e: {  	[smem:$0x3FC6] =	sst s2  }
0x8f: {  	_ = 	snop  }
0x90: {  	s2 =	sld [smem:$0x3FC9]  }
0x91: {  	s18 =	sld [smem:$0x3FD0];
	(tm) =	ssettm $0x1  }
0x92: {  	s4 =	sld [smem:$0x3FFB];
	_ =	sdelay $0x3  }
0x93: {  	_ =	strace s4  }
0x94: {  	s4 =	sld [smem:$0x3FFC];
	_ =	sdelay $0x3  }
0x95: {  	_ =	strace s4  }
0x96: {  	s4 =	sld [smem:$0x3FFD];
	_ =	sdelay $0x3  }
0x97: {  	_ =	strace s4  }
0x98: {  	_ =	strace $0x8FFFFFFF  }
0x99: {  	s19 =	sld [smem:$0x3FDB];
	_ =	sdelay $0x1  }
0x9a: {  	s5 =	simm.s32 $_scs_section_size  }
0x9b: {  	s6 =	simm.s32 $_size__tile_overlayer_lowered;
	s7 =	simm.s32 $_tile_overlayer_lowered  }
0x9c: {  	s22 =	simm.s32 $0x1BFF;
	s21 =	sshll.u32 s7, $0x1;
	s4 =	sadd.s32 s5, s19  }
0x9d: {  	s8 =	simm.s32 $0x0;
	s20 =	sshll.u32 s6, $0x1;
	s6 =	sadd.s32 s21, s4  }
0x9e: {  	[timem:s8], [sflag:s22] =	dma.local [hbm:s6], s20  }
0x9f: {  	_ =	swait.ge [sflag:s22], s20  }
0xa0: {  	s5 =	ssub.s32 $0x0, s20;
	[sflag:s22] =	ssyncset.done $0x0  }
0xa1: {  	[sflag:s22] =	ssyncadd.s32 s5;
	_ =	sdelay $0x1  }
0xa2: {  	s23 =	simm.s32 $0x1B8B  }
0xa3: {  	_ =	swait.ge [sflag:s23], $0x1  }
0xa4: {  	[sflag:s23] =	ssyncset.done $0x0  }
0xa5: {  	s25 =	simm.s32 $0x1B8E;
	s24 =	sld [smem:$0x3FFE];
	[sflag:s23] =	ssyncadd.s32 $0xFFFFFFFF  }
0xa6: {  	s26 =	simm.s32 $execute0_lowered;
	[smem:$0x3FD2] =	sst s25  }
0xa7: {  	s6 =	sshll.u32 s26, $0x1;
	_ =	strace $0x80000046;
	[dreg:$0x1] =	wrdreg $0xFFFFFFFF  }
0xa8: {  	s28 =	simm.s32 $_size_execute0_lowered;
	s4 =	sadd.s32 s4, s6;
	[dreg:$0x0] =	wrdreg $0x0  }
0xa9: {  	s6 =	sshll.u32 s28, $0x1;
	[dreg:$0x2] =	wrdreg s4  }
0xaa: {  	[dreg:$0x3] =	wrdreg s6  }
0xab: {  	[dreg:$0x4] =	wrdreg $0xC0  }
0xac: {  	_ =	task [dreg:s8], $0x5FFFF  }
0xad: {  	[dreg:$0x1] =	wrdreg $0xFFFFFFFF  }
0xae: {  	[dreg:$0x0] =	wrdreg $0x60  }
0xaf: {  	[dreg:$0x2] =	wrdreg s2  }
0xb0: {  	[dreg:$0x3] =	wrdreg s24  }
0xb1: {  	[dreg:$0x4] =	wrdreg s18  }
0xb2: {  	[dreg:$0x5] =	wrdreg $0x9  }
0xb3: {  	_ =	task.clear_ibuf [dreg:s8], $0x6FFFF;
	_ =	strace $0x90000046  }
0xb4: {  	s29 =	simm.s32 $0x9;
	_ =	strace $0x80000048  }
0xb5: {  	_ =	swait.ge [sflag:s29], $0x1  }
0xb6: {  	[sflag:s29] =	ssyncadd.s32 $0xFFFFFFFF  }
0xb7: {  	_ =	strace $0x90000048  }
0xb8: {  	_ =	sfence  }
0xb9: {  	s30 =	sld [smem:$0x0];
	_ =	sdelay $0x2  }
0xba: {  	s31 =	sshll.u32 s1, $0xD;
	s1 =	sshrl.u32 s1, $0x2  }
0xbb: {  	s3 =	sand.u32 $0x4000, s31;
	s1 =	sadd.s32 s1, s30  }
0xbc: {  	s0 =	sor.u32 s3, s0;
	s1 =	sshll.u32 s1, $0x11  }
0xbd: {  	s0 =	sor.u32 s1, s0  }
0xbe: {  	s0 =	sadd.s32 $0x8F2B, s0  }
0xbf: {  	[sflag:s0] =	ssyncadd.remote.s32 $0x1  }
0xc0: {  	_ =	sfence.sel $0xFFFF  }
0xc1: {  	[dreg:$0x0] =	wrdreg $0xFFFFFFFF;
	(pc) =	sbr.abs _section_cstart, $3  }
0xc2: {  	[dreg:$0x1] =	wrdreg $0xFFFFFFFF  }
0xc3: {  	_ =	task.clear_ibuf [dreg:s8], $0x2FFFF;
	_ =	strace $0x9FFFFFFF  }
0xc4: {  	(tm) =	ssettm $0x7FFFFFFF  }
0xc5: {  	_ =	shalt  }
tec
execute0_lowered:
.L_overlay_start_1:
0x0: {  	(tag) =	ssettag $0x1  }
0x1: {  	s0 =	rddreg [dreg:$0x0]  }
0x2: {  	s1 =	rddreg [dreg:$0x1]  }
0x3: {  	s6 =	rddreg [dreg:$0x2];
	s2 =	simm.s32 $0x0;
	s3 =	srdreg.scid  }
0x4: {  	s5 =	stileid.u32;
	s28 =	simm.s32 $0x10400;
	s29 =	simm.s32 $0x11400  }
0x5: {  	s30 =	simm.s32 $0x12400;
	s31 =	simm.s32 $0x13400;
	s10 =	simm.s32 $0x16400  }
0x6: {  	s11 =	simm.s32 $0x17400;
	s12 =	simm.s32 $0x18400;
	s13 =	simm.s32 $0x19400  }
0x7: {  	s14 =	simm.s32 $0x1;
	s15 =	simm.s32 $0x4;
	s16 =	simm.s32 $0x3  }
0x8: {  	s17 =	simm.s32 $0x2;
	s18 =	simm.s32 $0x0;
	[smem:$0x7FF] =	sst s2  }
0x9: {  	s3 =	sand.u32 $0x1, s3;
	s4 =	sshll.u32 s5, $0x1;
	s5 =	smul.u32 $0x190000, s5  }
0xa: {  	s4 =	sor.u32 s3, s4;
	s8 =	smul.u32 $0xC8000, s3;
	_ =	strace $0x80000047  }
0xb: {  	s7 =	ssub.s32 $0x2, s3;
	s3 =	sadd.s32 $0xF42C00, s1;
	s4 =	smul.u32 $0xC80, s4  }
.Ltmp0:
0xc: {  	s1 =	simm.s32 $0x15400;
	s9 =	sshrl.u32 s7, $0x1;
	(pc) =	sbr.rel .LBB2_1-.Ltmp0, $4  }
0xd: {  	s24 =	ssub.s32 s7, s9;
	s25 =	sadd.s32 s8, s5;
	s7 =	simm.s32 $0x5  }
0xe: {  	s8 =	simm.s32 $0x80;
	s9 =	simm.s32 $0x6400;
	s4 =	sadd.s32 s0, s4  }
0xf: {  	s5 =	smax.u32 s24, $0x1;
	s26 =	sshrl.u32 s25, $0x3;
	s25 =	simm.s32 $0x480  }
0x10: {  	s0 =	simm.s32 $0x14400;
	s6 =	sadd.s32 s26, s6;
	s26 =	simm.s32 $0xF400  }
.LBB2_6:
0x11: {  	s18 =	sadd.s32 $0x1, s18  }
0x12: {  	p0 =	sne.s32 s18, s5  }
.Ltmp1:
0x13: {  	_ = 	snop;
	(pc) =	sbr.rel @!p0 .LBB2_7-.Ltmp1, $4  }
0x14: {  	_ = 	snop  }
0x15: {  	_ =	swait.ge [sflag:s15], $0xA000  }
0x16: {  	[sflag:s15] =	ssyncset.done $0x0  }
0x17: {  	[sflag:s15] =	ssyncadd.s32 $0xFFFF6000  }
.LBB2_1:
0x18: {  	[tilespmem:s2], [sflag:$0x5] =	stream.linear.gather [hbm4b:s4+s2], $0x6400, $0x38;
	[tilespmem:$0x1A400] =	vst v63  }
0x19: {  	_ =	swait.ge [sflag:s7], $0x6400  }
0x1a: {  	[sflag:s7] =	ssyncset.done $0x0  }
0x1b: {  	[sflag:s7] =	ssyncadd.s32 $0xFFFF9C00  }
0x1c: {  	[tilespmem:s9], [sflag:$0x1] =	stream.indirect.gather [hbm4b:s3+s8], $0x20, s2, s8, $0xb8;
	[tilespmem:$0x1A400] =	vst v63  }
0x1d: {  	s19 =	simm.s32 $0x7400  }
0x1e: {  	[tilespmem:s19], [sflag:$0x1] =	stream.indirect.gather [hbm4b:s3+s8], $0x20, s8, s8, $0xb8;
	[tilespmem:$0x1A400] =	vst v63  }
0x1f: {  	s24 =	simm.s32 $0x100;
	s20 =	simm.s32 $0x8400  }
0x20: {  	[tilespmem:s20], [sflag:$0x1] =	stream.indirect.gather [hbm4b:s3+s8], $0x20, s24, s8, $0xb8;
	[tilespmem:$0x1A400] =	vst v63  }
0x21: {  	s21 =	simm.s32 $0x180;
	s22 =	simm.s32 $0x9400  }
0x22: {  	[tilespmem:s22], [sflag:$0x1] =	stream.indirect.gather [hbm4b:s3+s8], $0x20, s21, s8, $0xb8;
	[tilespmem:$0x1A400] =	vst v63  }
0x23: {  	s23 =	simm.s32 $0x200;
	s24 =	simm.s32 $0xA400  }
0x24: {  	[tilespmem:s24], [sflag:$0x1] =	stream.indirect.gather [hbm4b:s3+s8], $0x20, s23, s8, $0xb8;
	[tilespmem:$0x1A400] =	vst v63  }
0x25: {  	s21 =	simm.s32 $0x280;
	s22 =	simm.s32 $0xB400  }
0x26: {  	[tilespmem:s22], [sflag:$0x1] =	stream.indirect.gather [hbm4b:s3+s8], $0x20, s21, s8, $0xb8;
	[tilespmem:$0x1A400] =	vst v63  }
0x27: {  	s23 =	simm.s32 $0x300;
	s24 =	simm.s32 $0xC400  }
0x28: {  	[tilespmem:s24], [sflag:$0x1] =	stream.indirect.gather [hbm4b:s3+s8], $0x20, s23, s8, $0xb8;
	[tilespmem:$0x1A400] =	vst v63  }
0x29: {  	s21 =	simm.s32 $0x380;
	s22 =	simm.s32 $0xD400  }
0x2a: {  	[tilespmem:s22], [sflag:$0x1] =	stream.indirect.gather [hbm4b:s3+s8], $0x20, s21, s8, $0xb8;
	[tilespmem:$0x1A400] =	vst v63  }
.Ltmp2:
0x2b: {  	_ = 	snop;
	(pc) =	sbr.rel .LBB2_2-.Ltmp2, $4  }
0x2c: {  	s23 =	simm.s32 $0x400;
	s24 =	simm.s32 $0xE400  }
0x2d: {  	[tilespmem:s24], [sflag:$0x1] =	stream.indirect.gather [hbm4b:s3+s8], $0x20, s23, s8, $0xb8;
	[tilespmem:$0x1A400] =	vst v63  }
0x2e: {  	s19 =	simm.s32 $0x0;
	s20 =	simm.s32 $0x0  }
0x2f: {  	[tilespmem:s26], [sflag:$0x1] =	stream.indirect.gather [hbm4b:s3+s8], $0x20, s25, s8, $0xb8;
	[tilespmem:$0x1A400] =	vst v63  }
.LBB2_4:
0x30: {  	_ =	swait.ge [sflag:s16], $0xA000;
	p0 =	seq.s32 s19, $0x17C00  }
0x31: {  	[sflag:s16] =	ssyncset.done $0x0;
	s21 =	sshra.s32 @!p0 s19, $0x2;
	s23 =	simm.s32 @!p0 $0x80  }
0x32: {  	s24 =	simm.s32 @!p0 $0x6400;
	[sflag:s16] =	ssyncadd.s32 $0xFFFF6000;
	s22 =	sadd.s32 @!p0 $0x500, s21  }
0x33: {  	[tilespmem:s24], [sflag:$0x1] =	stream.indirect.gather @!p0 [hbm4b:s3+s23], $0x20, s22, s23, $0xb8;
	[tilespmem:$0x1A400] =	vst v63  }
0x34: {  	s22 =	sadd.s32 @!p0 $0x580, s21;
	s24 =	simm.s32 @!p0 $0x7400  }
0x35: {  	[tilespmem:s24], [sflag:$0x1] =	stream.indirect.gather @!p0 [hbm4b:s3+s23], $0x20, s22, s23, $0xb8;
	[tilespmem:$0x1A400] =	vst v63  }
0x36: {  	s22 =	sadd.s32 @!p0 $0x600, s21;
	s24 =	simm.s32 @!p0 $0x8400  }
0x37: {  	[tilespmem:s24], [sflag:$0x1] =	stream.indirect.gather @!p0 [hbm4b:s3+s23], $0x20, s22, s23, $0xb8;
	[tilespmem:$0x1A400] =	vst v63  }
0x38: {  	s22 =	sadd.s32 @!p0 $0x680, s21;
	s24 =	simm.s32 @!p0 $0x9400  }
0x39: {  	[tilespmem:s24], [sflag:$0x1] =	stream.indirect.gather @!p0 [hbm4b:s3+s23], $0x20, s22, s23, $0xb8;
	[tilespmem:$0x1A400] =	vst v63  }
0x3a: {  	s22 =	sadd.s32 @!p0 $0x700, s21;
	s24 =	simm.s32 @!p0 $0xA400  }
0x3b: {  	[tilespmem:s24], [sflag:$0x1] =	stream.indirect.gather @!p0 [hbm4b:s3+s23], $0x20, s22, s23, $0xb8;
	[tilespmem:$0x1A400] =	vst v63  }
0x3c: {  	s22 =	sadd.s32 @!p0 $0x780, s21;
	s24 =	simm.s32 @!p0 $0xB400  }
0x3d: {  	[tilespmem:s24], [sflag:$0x1] =	stream.indirect.gather @!p0 [hbm4b:s3+s23], $0x20, s22, s23, $0xb8;
	[tilespmem:$0x1A400] =	vst v63  }
0x3e: {  	s22 =	sadd.s32 @!p0 $0x800, s21;
	s24 =	simm.s32 @!p0 $0xC400  }
0x3f: {  	[tilespmem:s24], [sflag:$0x1] =	stream.indirect.gather @!p0 [hbm4b:s3+s23], $0x20, s22, s23, $0xb8;
	[tilespmem:$0x1A400] =	vst v63  }
0x40: {  	s22 =	sadd.s32 @!p0 $0x880, s21;
	s24 =	simm.s32 @!p0 $0xD400  }
0x41: {  	[tilespmem:s24], [sflag:$0x1] =	stream.indirect.gather @!p0 [hbm4b:s3+s23], $0x20, s22, s23, $0xb8;
	[tilespmem:$0x1A400] =	vst v63  }
0x42: {  	s22 =	sadd.s32 @!p0 $0x900, s21;
	s24 =	simm.s32 @!p0 $0xE400  }
0x43: {  	[tilespmem:s24], [sflag:$0x1] =	stream.indirect.gather @!p0 [hbm4b:s3+s23], $0x20, s22, s23, $0xb8;
	[tilespmem:$0x1A400] =	vst v63  }
0x44: {  	s21 =	sadd.s32 @!p0 $0x980, s21;
	s22 =	simm.s32 @!p0 $0xF400  }
0x45: {  	[tilespmem:s22], [sflag:$0x1] =	stream.indirect.gather @!p0 [hbm4b:s3+s23], $0x20, s21, s23, $0xb8;
	[tilespmem:$0x1A400] =	vst v63  }
0x46: {  	_ =	swait.ge [sflag:s17], $0x1000  }
0x47: {  	[sflag:s17] =	ssyncset.done $0x0  }
0x48: {  	[sflag:s17] =	ssyncadd.s32 $0xFFFFF000  }
0x49: {  	_ =	swait.ge [sflag:s17], $0x1000  }
0x4a: {  	[sflag:s17] =	ssyncset.done $0x0  }
0x4b: {  	[sflag:s17] =	ssyncadd.s32 $0xFFFFF000  }
0x4c: {  	_ =	swait.ge [sflag:s17], $0x1000  }
0x4d: {  	[sflag:s17] =	ssyncset.done $0x0  }
0x4e: {  	[sflag:s17] =	ssyncadd.s32 $0xFFFFF000  }
0x4f: {  	_ =	swait.ge [sflag:s17], $0x1000  }
0x50: {  	[sflag:s17] =	ssyncset.done $0x0  }
0x51: {  	[sflag:s17] =	ssyncadd.s32 $0xFFFFF000  }
0x52: {  	_ =	swait.ge [sflag:s17], $0x1000  }
0x53: {  	[sflag:s17] =	ssyncset.done $0x0  }
0x54: {  	[sflag:s17] =	ssyncadd.s32 $0xFFFFF000  }
0x55: {  	_ =	swait.ge [sflag:s17], $0x1000  }
0x56: {  	[sflag:s17] =	ssyncset.done $0x0  }
0x57: {  	[sflag:s17] =	ssyncadd.s32 $0xFFFFF000  }
0x58: {  	_ =	swait.ge [sflag:s17], $0x1000  }
0x59: {  	[sflag:s17] =	ssyncset.done $0x0  }
0x5a: {  	[sflag:s17] =	ssyncadd.s32 $0xFFFFF000  }
0x5b: {  	_ =	swait.ge [sflag:s17], $0x1000  }
0x5c: {  	[sflag:s17] =	ssyncset.done $0x0  }
0x5d: {  	[sflag:s17] =	ssyncadd.s32 $0xFFFFF000  }
0x5e: {  	_ =	swait.ge [sflag:s17], $0x1000  }
0x5f: {  	[sflag:s17] =	ssyncset.done $0x0  }
0x60: {  	[sflag:s17] =	ssyncadd.s32 $0xFFFFF000  }
0x61: {  	_ =	swait.ge [sflag:s17], $0x1000  }
0x62: {  	[sflag:s17] =	ssyncset.done $0x0  }
0x63: {  	s24 =	sadd.s32 s19, s6;
	[sflag:s17] =	ssyncadd.s32 $0xFFFFF000  }
0x64: {  	[hbm4b:s24+s2] =	stream.linear.scatter [tilespmem:s28], [sflag:$0x4], $0xA000, $0x38;
	[tilespmem:$0x1A400] =	vst v63  }
.LBB2_5:
0x65: {  	s19 =	sadd.s32 $0x1400, s19  }
0x66: {  	p0 =	sne.s32 s19, $0x19000  }
.Ltmp3:
0x67: {  	_ = 	snop;
	(pc) =	sbr.rel @!p0 .LBB2_6-.Ltmp3, $2  }
0x68: {  	_ =	sdelay $0x2  }
0x69: {  	s20 =	sadd.s32 $0x1, s20  }
.LBB2_2:
0x6a: {  	s21 =	sand.u32 $0x1, s20  }
0x6b: {  	p0 =	seq.s32 s21, $0x1  }
.Ltmp4:
0x6c: {  	_ = 	snop;
	(pc) =	sbr.rel @p0 .LBB2_4-.Ltmp4, $1  }
0x6d: {  	_ =	sdelay $0x3  }
0x6e: {  	p0 =	seq.s32 s19, $0x0  }
0x6f: {  	s21 =	simm.s32 @!p0 $0x4  }
0x70: {  	_ =	swait.ge @!p0 [sflag:s21], $0xA000  }
0x71: {  	s22 =	sshra.s32 s19, $0x2;
	[sflag:s21] =	ssyncset.done @!p0 $0x0  }
0x72: {  	s24 =	sadd.s32 $0x500, s22;
	[sflag:s21] =	ssyncadd.s32 @!p0 $0xFFFF6000  }
0x73: {  	[tilespmem:s28], [sflag:$0x2] =	stream.indirect.gather [hbm4b:s3+s8], $0x20, s24, s8, $0xb8;
	[tilespmem:$0x1A400] =	vst v63  }
0x74: {  	s23 =	sadd.s32 $0x580, s22  }
0x75: {  	[tilespmem:s29], [sflag:$0x2] =	stream.indirect.gather [hbm4b:s3+s8], $0x20, s23, s8, $0xb8;
	[tilespmem:$0x1A400] =	vst v63  }
0x76: {  	s24 =	sadd.s32 $0x600, s22  }
0x77: {  	[tilespmem:s30], [sflag:$0x2] =	stream.indirect.gather [hbm4b:s3+s8], $0x20, s24, s8, $0xb8;
	[tilespmem:$0x1A400] =	vst v63  }
0x78: {  	s23 =	sadd.s32 $0x680, s22  }
0x79: {  	[tilespmem:s31], [sflag:$0x2] =	stream.indirect.gather [hbm4b:s3+s8], $0x20, s23, s8, $0xb8;
	[tilespmem:$0x1A400] =	vst v63  }
0x7a: {  	s24 =	sadd.s32 $0x700, s22  }
0x7b: {  	[tilespmem:s0], [sflag:$0x2] =	stream.indirect.gather [hbm4b:s3+s8], $0x20, s24, s8, $0xb8;
	[tilespmem:$0x1A400] =	vst v63  }
0x7c: {  	s23 =	sadd.s32 $0x780, s22  }
0x7d: {  	[tilespmem:s1], [sflag:$0x2] =	stream.indirect.gather [hbm4b:s3+s8], $0x20, s23, s8, $0xb8;
	[tilespmem:$0x1A400] =	vst v63  }
0x7e: {  	s24 =	sadd.s32 $0x800, s22  }
0x7f: {  	[tilespmem:s10], [sflag:$0x2] =	stream.indirect.gather [hbm4b:s3+s8], $0x20, s24, s8, $0xb8;
	[tilespmem:$0x1A400] =	vst v63  }
0x80: {  	s23 =	sadd.s32 $0x880, s22  }
0x81: {  	[tilespmem:s11], [sflag:$0x2] =	stream.indirect.gather [hbm4b:s3+s8], $0x20, s23, s8, $0xb8;
	[tilespmem:$0x1A400] =	vst v63  }
0x82: {  	s24 =	sadd.s32 $0x900, s22  }
0x83: {  	[tilespmem:s12], [sflag:$0x2] =	stream.indirect.gather [hbm4b:s3+s8], $0x20, s24, s8, $0xb8;
	[tilespmem:$0x1A400] =	vst v63  }
0x84: {  	s23 =	sadd.s32 $0x980, s22  }
0x85: {  	[tilespmem:s13], [sflag:$0x2] =	stream.indirect.gather [hbm4b:s3+s8], $0x20, s23, s8, $0xb8;
	[tilespmem:$0x1A400] =	vst v63  }
0x86: {  	_ =	swait.ge [sflag:s14], $0x1000  }
0x87: {  	[sflag:s14] =	ssyncset.done $0x0  }
0x88: {  	[sflag:s14] =	ssyncadd.s32 $0xFFFFF000  }
0x89: {  	_ =	swait.ge [sflag:s14], $0x1000  }
0x8a: {  	[sflag:s14] =	ssyncset.done $0x0  }
0x8b: {  	[sflag:s14] =	ssyncadd.s32 $0xFFFFF000  }
0x8c: {  	_ =	swait.ge [sflag:s14], $0x1000  }
0x8d: {  	[sflag:s14] =	ssyncset.done $0x0  }
0x8e: {  	[sflag:s14] =	ssyncadd.s32 $0xFFFFF000  }
0x8f: {  	_ =	swait.ge [sflag:s14], $0x1000  }
0x90: {  	[sflag:s14] =	ssyncset.done $0x0  }
0x91: {  	[sflag:s14] =	ssyncadd.s32 $0xFFFFF000  }
0x92: {  	_ =	swait.ge [sflag:s14], $0x1000  }
0x93: {  	[sflag:s14] =	ssyncset.done $0x0  }
0x94: {  	[sflag:s14] =	ssyncadd.s32 $0xFFFFF000  }
0x95: {  	_ =	swait.ge [sflag:s14], $0x1000  }
0x96: {  	[sflag:s14] =	ssyncset.done $0x0  }
0x97: {  	[sflag:s14] =	ssyncadd.s32 $0xFFFFF000  }
0x98: {  	_ =	swait.ge [sflag:s14], $0x1000  }
0x99: {  	[sflag:s14] =	ssyncset.done $0x0  }
0x9a: {  	[sflag:s14] =	ssyncadd.s32 $0xFFFFF000  }
0x9b: {  	_ =	swait.ge [sflag:s14], $0x1000  }
0x9c: {  	[sflag:s14] =	ssyncset.done $0x0  }
0x9d: {  	[sflag:s14] =	ssyncadd.s32 $0xFFFFF000  }
0x9e: {  	_ =	swait.ge [sflag:s14], $0x1000  }
0x9f: {  	[sflag:s14] =	ssyncset.done $0x0  }
.Ltmp5:
0xa0: {  	[sflag:s14] =	ssyncadd.s32 $0xFFFFF000;
	(pc) =	sbr.rel .LBB2_5-.Ltmp5, $4  }
0xa1: {  	_ =	swait.ge [sflag:s14], $0x1000  }
0xa2: {  	[sflag:s14] =	ssyncset.done $0x0  }
0xa3: {  	s24 =	sadd.s32 s19, s6;
	[sflag:s14] =	ssyncadd.s32 $0xFFFFF000  }
0xa4: {  	[hbm4b:s24+s2] =	stream.linear.scatter [tilespmem:s9], [sflag:$0x3], $0xA000, $0x38;
	[tilespmem:$0x1A400] =	vst v63  }
.LBB2_7:
0xa5: {  	_ =	sfence.sel $0x180000  }
0xa6: {  	[bflag:$0x0] =	sbarrier.arrive $0xFFFF  }
0xa7: {  	_ =	strace $0x90000047  }
0xa8: {  	s0 =	stileid.u32;
	[bflag:$0x2] =	sbarrier.arrive $0xFFFF  }
0xa9: {  	p0 =	sne.s32 s0, $0x0;
	s0 =	rddreg [dreg:$0x3]  }
0xaa: {  	s0 =	sadd.s32 @!p0 $0x100000, s0  }
0xab: {  	[sflag:s0] =	ssyncadd.tile.s32 @!p0 $0x1;
	_ =	shalt  }
.Lfunc_end2:
_tile_overlayer_lowered:
.L_overlay_start_2:
0xac: {  	(tag) =	ssettag $0x2  }
0xad: {  	s0 =	rddreg [dreg:$0x0];
	s2 =	stileid.u32  }
0xae: {  	s1 =	rddreg [dreg:$0x1];
	p0 =	sne.s32 s2, $0x0  }
0xaf: {  	s3 =	rddreg [dreg:$0x2];
	[bflag:$0x3] =	sbarrier.arrive $0xFFFF;
	s2 =	simm.s32 @!p0 $0x1C05  }
0xb0: {  	[timem:s3], [sflag:s2] =	dma.local @!p0 [hbm:s0], s1  }
0xb1: {  	s0 =	simm.s32 @!p0 $0x5  }
0xb2: {  	_ =	swait.ge @!p0 [sflag:s0], s1  }
0xb3: {  	s1 =	ssub.s32 @!p0 $0x0, s1;
	[sflag:s0] =	ssyncset.done @!p0 $0x0  }
0xb4: {  	[sflag:s0] =	ssyncadd.s32 @!p0 s1  }
0xb5: {  	[bflag:$0x3] =	sbarrier.arrive $0xFFFF  }
0xb6: {  	_ =	shalt  }

// kernel: sparse-core-data-format-call.cloned.1.call-start
scs
called_computation_lowered:
.L_overlay_start_0:
0x0: {  	s2 =	sld [smem:$0x3FD9]  }
0x1: {  	s3 =	sld [smem:$0x3FFE];
	_ =	sdelay $0x1  }
0x2: {  	s1 =	srdreg.scid  }
0x3: {  	s0 =	sand.u32 $0x1, s1  }
0x4: {  	s18 =	sshll.u32 s0, $0xA;
	s2 =	sadd.s32 s3, s2  }
0x5: {  	s2 =	sadd.s32 s2, s18  }
0x6: {  	[smem:$0x3FC6] =	sst s2  }
0x7: {  	_ = 	snop  }
0x8: {  	s2 =	sld [smem:$0x3FD0];
	(tm) =	ssettm $0x1  }
0x9: {  	s19 =	sld [smem:$0x3FFB];
	_ =	sdelay $0x3  }
0xa: {  	_ =	strace s19  }
0xb: {  	s3 =	sld [smem:$0x3FFC];
	_ =	sdelay $0x3  }
0xc: {  	_ =	strace s3  }
0xd: {  	s3 =	sld [smem:$0x3FFD];
	_ =	sdelay $0x3  }
0xe: {  	_ =	strace s3  }
0xf: {  	_ =	strace $0x8FFFFFFF  }
0x10: {  	s20 =	sld [smem:$0x3FDB];
	_ =	sdelay $0x1  }
0x11: {  	s4 =	simm.s32 $_scs_section_size  }
0x12: {  	s5 =	simm.s32 $_size__tile_overlayer_lowered;
	s6 =	simm.s32 $_tile_overlayer_lowered  }
0x13: {  	s23 =	simm.s32 $0x1BFF;
	s22 =	sshll.u32 s6, $0x1;
	s3 =	sadd.s32 s4, s20  }
0x14: {  	s7 =	simm.s32 $0x0;
	s21 =	sshll.u32 s5, $0x1;
	s5 =	sadd.s32 s22, s3  }
0x15: {  	[timem:s7], [sflag:s23] =	dma.local [hbm:s5], s21  }
0x16: {  	_ =	swait.ge [sflag:s23], s21  }
0x17: {  	s4 =	ssub.s32 $0x0, s21;
	[sflag:s23] =	ssyncset.done $0x0  }
0x18: {  	[sflag:s23] =	ssyncadd.s32 s4;
	_ =	sdelay $0x1  }
0x19: {  	s24 =	simm.s32 $0x1B8B  }
0x1a: {  	_ =	swait.ge [sflag:s24], $0x1  }
0x1b: {  	[sflag:s24] =	ssyncset.done $0x0  }
0x1c: {  	s26 =	simm.s32 $0x1B8E;
	s25 =	sld [smem:$0x3FFE];
	[sflag:s24] =	ssyncadd.s32 $0xFFFFFFFF  }
0x1d: {  	s27 =	simm.s32 $execute0_lowered;
	[smem:$0x3FD2] =	sst s26  }
0x1e: {  	s5 =	sshll.u32 s27, $0x1;
	_ =	strace $0x80000049;
	[dreg:$0x1] =	wrdreg $0xFFFFFFFF  }
0x1f: {  	s28 =	simm.s32 $_size_execute0_lowered;
	s3 =	sadd.s32 s3, s5;
	[dreg:$0x0] =	wrdreg $0x0  }
0x20: {  	s5 =	sshll.u32 s28, $0x1;
	[dreg:$0x2] =	wrdreg s3  }
0x21: {  	[dreg:$0x3] =	wrdreg s5  }
0x22: {  	[dreg:$0x4] =	wrdreg $0xC0  }
0x23: {  	_ =	task [dreg:s7], $0x5FFFF  }
0x24: {  	[dreg:$0x1] =	wrdreg $0xFFFFFFFF  }
0x25: {  	[dreg:$0x0] =	wrdreg $0x60  }
0x26: {  	[dreg:$0x2] =	wrdreg s25  }
0x27: {  	[dreg:$0x3] =	wrdreg s2  }
0x28: {  	[dreg:$0x4] =	wrdreg $0x9  }
0x29: {  	_ =	task.clear_ibuf [dreg:s7], $0x5FFFF;
	_ =	strace $0x90000049  }
0x2a: {  	s29 =	simm.s32 $0x9;
	_ =	strace $0x8000004B  }
0x2b: {  	_ =	swait.ge [sflag:s29], $0x1  }
0x2c: {  	[sflag:s29] =	ssyncadd.s32 $0xFFFFFFFF  }
0x2d: {  	_ =	strace $0x9000004B  }
0x2e: {  	_ =	sfence  }
0x2f: {  	s30 =	sld [smem:$0x0];
	_ =	sdelay $0x2  }
0x30: {  	s31 =	sshll.u32 s1, $0xD;
	s1 =	sshrl.u32 s1, $0x2  }
0x31: {  	s3 =	sand.u32 $0x4000, s31;
	s1 =	sadd.s32 s1, s30  }
0x32: {  	s0 =	sor.u32 s3, s0;
	s1 =	sshll.u32 s1, $0x11  }
0x33: {  	s0 =	sor.u32 s1, s0  }
0x34: {  	s0 =	sadd.s32 $0x8F2B, s0  }
0x35: {  	[sflag:s0] =	ssyncadd.remote.s32 $0x1  }
0x36: {  	_ =	sfence.sel $0xFFFF  }
0x37: {  	[dreg:$0x0] =	wrdreg $0xFFFFFFFF;
	(pc) =	sbr.abs _section_cstart, $3  }
0x38: {  	[dreg:$0x1] =	wrdreg $0xFFFFFFFF  }
0x39: {  	_ =	task.clear_ibuf [dreg:s7], $0x2FFFF;
	_ =	strace $0x9FFFFFFF  }
0x3a: {  	(tm) =	ssettm $0x7FFFFFFF  }
0x3b: {  	_ =	shalt  }
tec
execute0_lowered:
.L_overlay_start_1:
0x0: {  	(tag) =	ssettag $0x1  }
0x1: {  	s6 =	rddreg [dreg:$0x0]  }
0x2: {  	s2 =	rddreg [dreg:$0x1]  }
0x3: {  	s0 =	rddreg [dreg:$0x2];
	_ =	strace $0x8000004A;
	s4 =	srdreg.scid  }
0x4: {  	s1 =	stileid.u32;
	s7 =	simm.s32 $0x2;
	s13 =	simm.s32 $0x0  }
0x5: {  	p0 =	por $0x0, $0x0;
	s8 =	simm.s32 $0xA000;
	s14 =	simm.s32 $0x0  }
.Ltmp0:
0x6: {  	s15 =	simm.s32 $0x0;
	s10 =	simm.s32 $0x0;
	(pc) =	sbr.rel .LBB1_1-.Ltmp0, $4  }
0x7: {  	s11 =	simm.s32 $0x0;
	s9 =	simm.s32 $0x0;
	s5 =	sshll.u32 s4, $0x4  }
0x8: {  	s3 =	sadd.s32 $0x800, s6;
	s4 =	simm.s32 $0x1;
	s5 =	sand.u32 $0x10, s5  }
0x9: {  	s6 =	sadd.s32 $0x5800, s6;
	[sflag:s4] =	ssyncpa.u1 $0x0;
	s5 =	sor.u32 s1, s5  }
0xa: {  	[sflag:s7] =	ssyncpa.u1 $0x0;
	s7 =	simm.s32 $0x2000;
	s12 =	smov.u32 s5  }
.LBB1_9:
0xb: {  	s16 =	sadd.s32 $0x2, s10  }
0xc: {  	s13 =	sadd.s32 $0x2, s11;
	s17 =	smov.u32 s11;
	p2 =	sgt.s32 s16, $0x9  }
0xd: {  	s17 =	smov.u32 @p2 s13  }
0xe: {  	s19 =	smov.u32 s12;
	s13 =	sadd.s32 $0x20, s12;
	p3 =	sgt.s32 s17, $0x13  }
0xf: {  	p1 =	slt.u32 s9, $0x2;
	s19 =	smov.u32 @p3 s13  }
0x10: {  	s9 =	sadd.s32 $0x1, s9;
	s16 =	simm.s32 @p2 $0x0;
	p2 =	sgt.s32 s19, $0x1F  }
0x11: {  	s19 =	smov.u32 @p2 s5;
	p2 =	sne.s32 s9, $0x34  }
.Ltmp1:
0x12: {  	s18 =	simm.s32 @!p1 $0x2;
	(pc) =	sbr.rel @!p2 .LBB1_10-.Ltmp1, $4  }
0x13: {  	s14 =	smov.u32 s11;
	_ =	swait.ge @!p1 [sflag:s18], $0x4000  }
0x14: {  	s15 =	smov.u32 s12;
	p0 =	por !p0, !p0;
	[sflag:s18] =	ssyncset.done @!p1 $0x0  }
0x15: {  	s17 =	simm.s32 @p3 $0x0;
	s13 =	smov.u32 s10;
	[sflag:s18] =	ssyncadd.s32 @!p1 $0xFFFFC000  }
0x16: {  	s10 =	smov.u32 s16;
	s11 =	smov.u32 s17;
	s12 =	smov.u32 s19  }
.LBB1_1:
0x17: {  	p1 =	sgt.u32 s9, $0x31  }
0x18: {  	s16 =	smul.u32 @!p1 $0x64000, s12  }
0x19: {  	s17 =	sxor.u32 @!p1 $0xFFFFFFFF, s9;
	s18 =	smul.u32 @!p1 $0x5000, s11;
	s20 =	sshll.u32 @!p1 s10, $0xB  }
0x1a: {  	s21 =	simm.s32 @!p1 $0x20;
	s22 =	simm.s32 @!p1 $0x80;
	s19 =	sadd.s32 @!p1 s3, s16  }
0x1b: {  	s17 =	sshll.u32 @!p1 s17, $0xE;
	s16 =	sadd.s32 @!p1 s16, s6;
	s19 =	sadd.s32 @!p1 s18, s19  }
0x1c: {  	s17 =	sand.u32 @!p1 $0x4000, s17;
	s16 =	sadd.s32 @!p1 s18, s16;
	s19 =	sadd.s32 @!p1 s20, s19  }
0x1d: {  	[tilespmem:s17], [sflag:$0x1] =	stream.strided.gather @!p1 [hbm4b:s19+s21], $0x2000, s22, s21, $0x38;
	[tilespmem:$0x10100] =	vst v63  }
0x1e: {  	s16 =	sadd.s32 @!p1 s20, s16;
	s17 =	sor.u32 @!p1 $0x2000, s17  }
0x1f: {  	[tilespmem:s17], [sflag:$0x1] =	stream.strided.gather @!p1 [hbm4b:s16+s21], $0x2000, s22, s21, $0x38;
	[tilespmem:$0x10100] =	vst v63  }
0x20: {  	p1 =	seq.s32 s9, $0x0  }
0x21: {  	p2 =	seq.s32 @!p1 s9, $0x33  }
0x22: {  	p1 =	por p1, p2  }
.Ltmp2:
0x23: {  	_ = 	snop;
	(pc) =	sbr.rel @p1 .LBB1_9-.Ltmp2, $1  }
0x24: {  	_ =	sdelay $0x3  }
0x25: {  	s16 =	simm.s32 $0x1;
	s18 =	sand.u32 $0x1, s9  }
0x26: {  	_ =	swait.ge [sflag:s4], $0x4000;
	s16 =	simm.s32 @!p0 $0x0;
	s18 =	smul.u32 $0x10200, s18  }
0x27: {  	p2 =	por $0x1, $0x1;
	[sflag:s4] =	ssyncset.done $0x0;
	s17 =	smul.u32 $0x10200, s16  }
0x28: {  	s19 =	sshll.u32 s16, $0x10;
	[sflag:s4] =	ssyncadd.s32 $0xFFFFC000;
	s30 =	sshrl.u32 s18, $0x2  }
0x29: {  	s31 =	sshrl.u32 s19, $0x2;
	s19 =	simm.s32 $0x0;
	s17 =	sshrl.u32 s17, $0x2  }
0x2a: {  	s16 =	sor.u32 $0x8000, s30;
	s18 =	sadd.s32 $0x10, s31;
	s17 =	sor.u32 $0x8000, s17  }
.LBB1_3:
0x2b: {  	s20 =	smul.u32 $0x8100, s19  }
0x2c: {  	s21 =	sshll.u32 s19, $0xD;
	p1 =	por p2, p2  }
0x2d: {  	p3 =	por $0x1, $0x1;
	s31 =	sand.u32 $0x3FFFE000, s21;
	s20 =	sshra.s32 s20, $0x2  }
0x2e: {  	s21 =	simm.s32 $0x0;
	s19 =	sadd.s32 s20, s17;
	s20 =	sadd.s32 s31, s18  }
.LBB1_4:
0x2f: {  	s22 =	sshll.u32 s21, $0xC  }
0x30: {  	s22 =	sand.u32 $0x3FFFF000, s22  }
0x31: {  	s23 =	sadd.s32 s22, s20  }
0x32: {  	s31 =	smul.u32 $0x4080, s21;
	v1 =	vld [tilespmem:s23+$0x0]  }
0x33: {  	v0 =	vld [tilespmem:s23+$0xFFFFFFF0]  }
0x34: {  	s21 =	sshra.s32 s31, $0x2  }
0x35: {  	s21 =	sadd.s32 s21, s19  }
0x36: {  	s24 =	sadd.s32 $0x0, s21  }
0x37: {  	p2 =	por p3, p3;
	s22 =	simm.s32 $0x4;
	s23 =	sadd.s32 $0x20, s23;
	[tilespmem:s24+$0x810 ss:$0x81] =	vst.msk $0xffff, v1  }
.LBB1_5:
0x38: {  	v1 =	vld [tilespmem:s23+$0x0];
	p3 =	sne.s32 s22, $0x1FC;
	[tilespmem:s24+$0x0 ss:$0x81] =	vst.msk $0xffff, v0;
	s24 =	smov.u32 s22;
	s22 =	sadd.s32 $0x4, s22  }
.Ltmp3:
0x39: {  	v0 =	vld [tilespmem:s23+$0xFFFFFFF0];
	(pc) =	sbr.rel @p3 .LBB1_5-.Ltmp3, $4  }
0x3a: {  	_ = 	snop  }
0x3b: {  	s24 =	sshra.s32 s24, $0x2  }
0x3c: {  	s24 =	sadd.s32 s24, s21  }
0x3d: {  	s23 =	sadd.s32 $0x20, s23;
	[tilespmem:s24+$0x810 ss:$0x81] =	vst.msk $0xffff, v1  }
.Ltmp4:
0x3e: {  	(pc) =	sbr.rel @p2 .LBB1_4-.Ltmp4, $2  }
0x3f: {  	_ =	sdelay $0x2  }
0x40: {  	[tilespmem:s24+$0x0 ss:$0x81] =	vst.msk $0xffff, v0;
	s21 =	simm.s32 $0x1;
	p3 =	por $0x0, $0x0  }
.Ltmp5:
0x41: {  	(pc) =	sbr.rel @p1 .LBB1_3-.Ltmp5, $2  }
0x42: {  	_ =	sdelay $0x2  }
0x43: {  	s19 =	simm.s32 $0x1;
	p2 =	por $0x0, $0x0  }
0x44: {  	s15 =	smul.u32 $0x19000, s15  }
0x45: {  	s14 =	smul.u32 $0x1400, s14  }
.Ltmp6:
0x46: {  	_ = 	snop;
	(pc) =	sbr.rel .LBB1_9-.Ltmp6, $4  }
0x47: {  	s15 =	sadd.s32 s2, s15  }
0x48: {  	s13 =	sshll.u32 s13, $0x9;
	s14 =	sadd.s32 s14, s15  }
0x49: {  	s13 =	sadd.s32 s13, s14  }
0x4a: {  	[hbm4b:s13+s7] =	stream.strided.scatter [tilespmem:s16], [sflag:$0x2], $0x4000, s8, s7, $0x20;
	[tilespmem:$0x10100] =	vst v63  }
.LBB1_10:
0x4b: {  	_ =	sfence.sel $0x180000  }
0x4c: {  	s2 =	simm.s32 $0x1;
	[bflag:$0x0] =	sbarrier.arrive $0xFFFF  }
0x4d: {  	s31 =	simm.s32 $0x2;
	[sflag:s2] =	ssyncpa.u1 $0x1  }
0x4e: {  	[sflag:s31] =	ssyncpa.u1 $0x1  }
0x4f: {  	p0 =	sne.s32 s1, $0x0;
	_ =	strace $0x9000004A  }
0x50: {  	s0 =	sadd.s32 @!p0 $0x100000, s0;
	[bflag:$0x2] =	sbarrier.arrive $0xFFFF  }
0x51: {  	[sflag:s0] =	ssyncadd.tile.s32 @!p0 $0x1;
	_ =	shalt  }
.Lfunc_end1:
_tile_overlayer_lowered:
.L_overlay_start_2:
0x52: {  	(tag) =	ssettag $0x2  }
0x53: {  	s0 =	rddreg [dreg:$0x0];
	s2 =	stileid.u32  }
0x54: {  	s1 =	rddreg [dreg:$0x1];
	p0 =	sne.s32 s2, $0x0  }
0x55: {  	s3 =	rddreg [dreg:$0x2];
	[bflag:$0x3] =	sbarrier.arrive $0xFFFF;
	s2 =	simm.s32 @!p0 $0x1C01  }
0x56: {  	[timem:s3], [sflag:s2] =	dma.local @!p0 [hbm:s0], s1  }
0x57: {  	s0 =	simm.s32 @!p0 $0x1  }
0x58: {  	_ =	swait.ge @!p0 [sflag:s0], s1  }
0x59: {  	s1 =	ssub.s32 @!p0 $0x0, s1;
	[sflag:s0] =	ssyncset.done @!p0 $0x0  }
0x5a: {  	[sflag:s0] =	ssyncadd.s32 @!p0 s1  }
0x5b: {  	[bflag:$0x3] =	sbarrier.arrive $0xFFFF  }
0x5c: {  	_ =	shalt  }

</sc_bundles>
